<compile_context>
chip_gen: v7x
topology: tpu7x:2x2x1
jax: 0.10.2.dev20260603
libtpu: 0.0.44.dev20260713+nightly
codegen_flags: <defaults>
</compile_context>

<pallas_src>
import jax
import jax.numpy as jnp
from jax import lax
from jax.experimental import pallas as pl
from jax.experimental.pallas import tpu as pltpu
from jax.experimental.pallas import tpu_sc as plsc

VOCAB = 100000
D_MODEL = 1024
SCALE = 32.0

NUM_CORES = 2
NUM_SUBCORES = 16
NUM_WORKERS = NUM_CORES * NUM_SUBCORES
LANES = 16

N_TOKENS = 4 * 4096
TOK_PER_WORKER = N_TOKENS // NUM_WORKERS
CHUNK = 16
N_CHUNKS = TOK_PER_WORKER // CHUNK
DEPTH = 2
NBUF = 2 * DEPTH
VECS_PER_ROW = D_MODEL // LANES
VECS_PER_CHUNK = CHUNK * VECS_PER_ROW


def _body(ids_hbm, table_hbm, out_hbm, idx_v, *rest):
  bufs = rest[:NBUF]
  gsem = rest[NBUF : 2 * NBUF]
  ssem = rest[2 * NBUF :]

  c = lax.axis_index("c")
  s = lax.axis_index("s")
  wid = s * NUM_CORES + c
  row = wid // 8
  tbase = (wid % 8) * TOK_PER_WORKER

  pltpu.sync_copy(ids_hbm.at[row, pl.ds(tbase, TOK_PER_WORKER)], idx_v)

  def gather(h, b):
    pltpu.make_async_copy(
        table_hbm.at[idx_v.at[pl.ds(h * CHUNK, CHUNK)]], bufs[b], gsem[b]
    ).start()

  def wait_gather(b):
    pltpu.make_async_copy(
        table_hbm.at[idx_v.at[pl.ds(0, CHUNK)]], bufs[b], gsem[b]
    ).wait()

  def scatter(h, b):
    pltpu.make_async_copy(
        bufs[b], out_hbm.at[row, pl.ds(tbase + h * CHUNK, CHUNK)], ssem[b]
    ).start()

  def wait_scatter(b):
    pltpu.make_async_copy(
        bufs[b], out_hbm.at[row, pl.ds(tbase, CHUNK)], ssem[b]
    ).wait()

  def scale(b):
    ref = bufs[b]

    @plsc.parallel_loop(0, VECS_PER_CHUNK, 1, unroll=8)
    def _vec(v):
      r = lax.shift_right_logical(v, 6)
      col = lax.shift_left(lax.bitwise_and(v, VECS_PER_ROW - 1), 4)
      sl = pl.ds(pl.multiple_of(col, LANES), LANES)
      ref[r, sl] = ref[r, sl] * SCALE

  for h in range(DEPTH):
    gather(h, h)
  for h in range(DEPTH):
    wait_gather(h)
    gather(h + DEPTH, h + DEPTH)
    scale(h)
    scatter(h, h)

  n_main = (N_CHUNKS - 2 * DEPTH) // NBUF * NBUF

  def outer(o, carry):
    h0 = DEPTH + o * NBUF
    for k in range(NBUF):
      h = h0 + k
      b = (DEPTH + k) % NBUF
      b2 = k % NBUF
      wait_scatter(b2)
      gather(h + DEPTH, b2)
      wait_gather(b)
      scale(b)
      scatter(h, b)
    return carry

  lax.fori_loop(0, n_main // NBUF, outer, 0)

  for h in range(DEPTH + n_main, N_CHUNKS):
    b = h % NBUF
    wait_gather(b)
    if h + DEPTH < N_CHUNKS:
      b2 = (h + DEPTH) % NBUF
      wait_scatter(b2)
      gather(h + DEPTH, b2)
    scale(b)
    scatter(h, b)
  for h in range(N_CHUNKS - NBUF, N_CHUNKS):
    wait_scatter(h % NBUF)


@jax.jit
def _embed(ids, table):
  mesh = plsc.VectorSubcoreMesh(core_axis_name="c", subcore_axis_name="s")
  return pl.kernel(
      _body,
      out_type=jax.ShapeDtypeStruct((4, 4096, D_MODEL), jnp.float32),
      mesh=mesh,
      scratch_types=[pltpu.VMEM((TOK_PER_WORKER,), jnp.int32)]
      + [pltpu.VMEM((CHUNK, D_MODEL), jnp.float32) for _ in range(NBUF)]
      + [pltpu.SemaphoreType.DMA for _ in range(2 * NBUF)],
  )(ids, table)


def kernel(token_ids, embedding):
  return _embed(token_ids.astype(jnp.int32), embedding)

# --- scband reference (transcript-rebuilt; emitter-appended) ---
"""Pipeline reference for scband-token-embedding-40827959116411 (READ-ONLY COPY).

The authoritative reference and input builder live on the scoring server;
editing this copy changes nothing except your own understanding.
"""

import jax, jax.numpy as jnp
import numpy as np
import math

VOCAB = 100000
D_MODEL = 1024

def setup_inputs(seed: int = 0) -> dict:
    key = jax.random.key(seed)
    k1, k2 = jax.random.split(key)
    token_ids = jax.random.randint(k1, (4, 4096), 0, VOCAB, dtype=jnp.int64 if jax.config.jax_enable_x64 else jnp.int32)
    embedding = jax.random.normal(k2, (VOCAB, D_MODEL), dtype=jnp.float32) * 0.02
    return {"token_ids": token_ids, "embedding": embedding}

def reference(token_ids, embedding):
    # Embedding lookup (gather) with sqrt(d_model) scaling, per DeepSeek-style token embedding.
    x = jnp.take(embedding, token_ids, axis=0)  # (batch, seq_len, d_model)
    x = x * math.sqrt(D_MODEL)
    return x

if __name__ == "__main__":
    import jax
    _d = setup_inputs()
    print(jax.jit(kernel)(*tuple(_d.values())))

</pallas_src>

<mosaic_0001>
#map = affine_map<(d0, d1) -> (0, 0)>
#map1 = affine_map<(d0, d1) -> (0, 0, 0)>
module attributes {stable_mosaic.version = 14 : i64} {
  func.func @_body(%arg0: i32, %arg1: i32, %arg2: memref<4x4096xi32, #tpu.memory_space<hbm>>, %arg3: memref<100000x1024xf32, #tpu.memory_space<hbm>>, %arg4: memref<4x4096x1024xf32, #tpu.memory_space<hbm>>, %arg5: memref<512xi32, #tpu.memory_space<vmem>>, %arg6: memref<16x1024xf32, #tpu.memory_space<vmem>>, %arg7: memref<16x1024xf32, #tpu.memory_space<vmem>>, %arg8: memref<16x1024xf32, #tpu.memory_space<vmem>>, %arg9: memref<16x1024xf32, #tpu.memory_space<vmem>>, %arg10: memref<!tpu.dma_semaphore, #tpu.memory_space<semaphore_mem>>, %arg11: memref<!tpu.dma_semaphore, #tpu.memory_space<semaphore_mem>>, %arg12: memref<!tpu.dma_semaphore, #tpu.memory_space<semaphore_mem>>, %arg13: memref<!tpu.dma_semaphore, #tpu.memory_space<semaphore_mem>>, %arg14: memref<!tpu.dma_semaphore, #tpu.memory_space<semaphore_mem>>, %arg15: memref<!tpu.dma_semaphore, #tpu.memory_space<semaphore_mem>>, %arg16: memref<!tpu.dma_semaphore, #tpu.memory_space<semaphore_mem>>, %arg17: memref<!tpu.dma_semaphore, #tpu.memory_space<semaphore_mem>>) attributes {dimension_semantics = [#tpu.dimension_semantics<core_parallel>, #tpu.dimension_semantics<subcore_parallel>], iteration_bounds = array<i64: 2, 16>, scalar_prefetch = 0 : i64, scratch_operands = 13 : i64, tpu.core_type = #tpu.core_type<sc_vector_subcore>, window_params = [{transform_indices = #map}, {transform_indices = #map}, {transform_indices = #map1}]} {
    %mul3A = arith.constant 2 : i32
    %mul3A_0 = arith.muli %arg1, %mul3A : i32
    %add3A = arith.addi %mul3A_0, %arg0 : i32
    %jit3A = arith.constant 8 : i32
    %div3A = arith.divsi %add3A, %jit3A : i32
    %sign3A = arith.constant 0 : i32
    %sign3A_1 = arith.cmpi sgt, %add3A, %sign3A : i32
    %sign3A_2 = arith.extui %sign3A_1 : i1 to i32
    %sign3A_3 = arith.constant 0 : i32
    %sign3A_4 = arith.cmpi slt, %add3A, %sign3A_3 : i32
    %sign3A_5 = arith.extui %sign3A_4 : i1 to i32
    %sign3A_6 = arith.subi %sign3A_2, %sign3A_5 : i32
    %sign3A_7 = arith.constant 0 : i32
    %sign3A_8 = arith.cmpi sgt, %jit3A, %sign3A_7 : i32
    %sign3A_9 = arith.extui %sign3A_8 : i1 to i32
    %sign3A_10 = arith.constant 0 : i32
    %sign3A_11 = arith.cmpi slt, %jit3A, %sign3A_10 : i32
    %sign3A_12 = arith.extui %sign3A_11 : i1 to i32
    %sign3A_13 = arith.subi %sign3A_9, %sign3A_12 : i32
    %ne3A = arith.cmpi ne, %sign3A_6, %sign3A_13 : i32
    %rem3A = arith.remsi %add3A, %jit3A : i32
    %ne3A_14 = arith.constant 0 : i32
    %ne3A_15 = arith.cmpi ne, %rem3A, %ne3A_14 : i32
    %and3A = arith.andi %ne3A, %ne3A_15 : i1
    %sub3A = arith.constant 1 : i32
    %sub3A_16 = arith.subi %div3A, %sub3A : i32
    %select_n3A = arith.select %and3A, %sub3A_16, %div3A : i32
    %jit3A_17 = arith.constant 8 : i32
    %eq3A = arith.constant 0 : i32
    %eq3A_18 = arith.cmpi eq, %jit3A_17, %eq3A : i32
    %jit3A_19 = arith.constant 1 : i32
    %select_n3A_20 = arith.select %eq3A_18, %jit3A_19, %jit3A_17 : i32
    %rem3A_21 = arith.remsi %add3A, %select_n3A_20 : i32
    %ne3A_22 = arith.constant 0 : i32
    %ne3A_23 = arith.cmpi ne, %rem3A_21, %ne3A_22 : i32
    %lt3A = arith.constant 0 : i32
    %lt3A_24 = arith.cmpi slt, %rem3A_21, %lt3A : i32
    %lt3A_25 = arith.constant 0 : i32
    %lt3A_26 = arith.cmpi slt, %select_n3A_20, %lt3A_25 : i32
    %ne3A_27 = arith.xori %lt3A_24, %lt3A_26 : i1
    %and3A_28 = arith.andi %ne3A_27, %ne3A_23 : i1
    %add3A_29 = arith.addi %rem3A_21, %select_n3A_20 : i32
    %select_n3A_30 = arith.select %and3A_28, %add3A_29, %rem3A_21 : i32
    %mul3A_31 = arith.constant 512 : i32
    %mul3A_32 = arith.muli %select_n3A_30, %mul3A_31 : i32
    "tpu.region"() ({
      %run_scoped3A = tpu.sem_alloc : memref<!tpu.dma_semaphore, #tpu.memory_space<semaphore_mem>>
      %dma_start3A_143 = tpu.memref_slice %arg2[%select_n3A, %mul3A_32] : memref<4x4096xi32, #tpu.memory_space<hbm>> -> memref<1x512xi32, #tpu.memory_space<hbm>>
      %dma_start3A_144 = tpu.memref_squeeze %dma_start3A_143 : memref<1x512xi32, #tpu.memory_space<hbm>> -> memref<512xi32, #tpu.memory_space<hbm>>
      %dma_start3A_145 = tpu.memref_slice %arg2[%select_n3A, %mul3A_32] : memref<4x4096xi32, #tpu.memory_space<hbm>> -> memref<1x512xi32, #tpu.memory_space<hbm>>
      %dma_start3A_146 = tpu.memref_squeeze %dma_start3A_145 : memref<1x512xi32, #tpu.memory_space<hbm>> -> memref<512xi32, #tpu.memory_space<hbm>>
      tpu.enqueue_dma source(%dma_start3A_146 : memref<512xi32, #tpu.memory_space<hbm>>) target(%arg5 : memref<512xi32, #tpu.memory_space<vmem>>) target_semaphore(%run_scoped3A : memref<!tpu.dma_semaphore, #tpu.memory_space<semaphore_mem>>)
      %dma_wait3A_147 = tpu.memref_slice %arg2[%select_n3A, %mul3A_32] : memref<4x4096xi32, #tpu.memory_space<hbm>> -> memref<1x512xi32, #tpu.memory_space<hbm>>
      %dma_wait3A_148 = tpu.memref_squeeze %dma_wait3A_147 : memref<1x512xi32, #tpu.memory_space<hbm>> -> memref<512xi32, #tpu.memory_space<hbm>>
      %dma_wait3A_149 = tpu.memref_slice %arg2[%select_n3A, %mul3A_32] : memref<4x4096xi32, #tpu.memory_space<hbm>> -> memref<1x512xi32, #tpu.memory_space<hbm>>
      %dma_wait3A_150 = tpu.memref_squeeze %dma_wait3A_149 : memref<1x512xi32, #tpu.memory_space<hbm>> -> memref<512xi32, #tpu.memory_space<hbm>>
      tpu.wait_dma2 semaphore(%run_scoped3A : memref<!tpu.dma_semaphore, #tpu.memory_space<semaphore_mem>>) src(%dma_wait3A_150 : memref<512xi32, #tpu.memory_space<hbm>>) dst(%arg5 : memref<512xi32, #tpu.memory_space<vmem>>)
      tpu.yield
    }) : () -> ()
    %dma_start3A = arith.constant 0 : i32
    %dma_start3A_33 = tpu.memref_slice %arg5[%dma_start3A] : memref<512xi32, #tpu.memory_space<vmem>> -> memref<16xi32, #tpu.memory_space<vmem>>
    %dma_start3A_34 = arith.constant 0 : i32
    %dma_start3A_35 = arith.constant 0 : i32
    %dma_start3A_36 = tpu.memref_slice %arg3[%dma_start3A_34, %dma_start3A_35] : memref<100000x1024xf32, #tpu.memory_space<hbm>> -> memref<100000x1024xf32, #tpu.memory_space<hbm>>
    tpu.enqueue_indirect_dma source(%dma_start3A_36 : memref<100000x1024xf32, #tpu.memory_space<hbm>>) target(%arg6 : memref<16x1024xf32, #tpu.memory_space<vmem>>) offsets(%dma_start3A_33 : memref<16xi32, #tpu.memory_space<vmem>>) semaphore(%arg10 : memref<!tpu.dma_semaphore, #tpu.memory_space<semaphore_mem>>)
    %dma_start3A_37 = arith.constant 16 : i32
    %dma_start3A_38 = tpu.memref_slice %arg5[%dma_start3A_37] : memref<512xi32, #tpu.memory_space<vmem>> -> memref<16xi32, #tpu.memory_space<vmem>>
    %dma_start3A_39 = arith.constant 0 : i32
    %dma_start3A_40 = arith.constant 0 : i32
    %dma_start3A_41 = tpu.memref_slice %arg3[%dma_start3A_39, %dma_start3A_40] : memref<100000x1024xf32, #tpu.memory_space<hbm>> -> memref<100000x1024xf32, #tpu.memory_space<hbm>>
    tpu.enqueue_indirect_dma source(%dma_start3A_41 : memref<100000x1024xf32, #tpu.memory_space<hbm>>) target(%arg7 : memref<16x1024xf32, #tpu.memory_space<vmem>>) offsets(%dma_start3A_38 : memref<16xi32, #tpu.memory_space<vmem>>) semaphore(%arg11 : memref<!tpu.dma_semaphore, #tpu.memory_space<semaphore_mem>>)
    %dma_wait3A = arith.constant 0 : i32
    %dma_wait3A_42 = tpu.memref_slice %arg5[%dma_wait3A] : memref<512xi32, #tpu.memory_space<vmem>> -> memref<16xi32, #tpu.memory_space<vmem>>
    %dma_wait3A_43 = arith.constant 0 : i32
    %dma_wait3A_44 = arith.constant 0 : i32
    %dma_wait3A_45 = tpu.memref_slice %arg3[%dma_wait3A_43, %dma_wait3A_44] : memref<100000x1024xf32, #tpu.memory_space<hbm>> -> memref<100000x1024xf32, #tpu.memory_space<hbm>>
    tpu.wait_indirect_dma semaphore(%arg10 : memref<!tpu.dma_semaphore, #tpu.memory_space<semaphore_mem>>) src(%dma_wait3A_45 : memref<100000x1024xf32, #tpu.memory_space<hbm>>) dst(%arg6 : memref<16x1024xf32, #tpu.memory_space<vmem>>)
    %dma_start3A_46 = arith.constant 32 : i32
    %dma_start3A_47 = tpu.memref_slice %arg5[%dma_start3A_46] : memref<512xi32, #tpu.memory_space<vmem>> -> memref<16xi32, #tpu.memory_space<vmem>>
    %dma_start3A_48 = arith.constant 0 : i32
    %dma_start3A_49 = arith.constant 0 : i32
    %dma_start3A_50 = tpu.memref_slice %arg3[%dma_start3A_48, %dma_start3A_49] : memref<100000x1024xf32, #tpu.memory_space<hbm>> -> memref<100000x1024xf32, #tpu.memory_space<hbm>>
    tpu.enqueue_indirect_dma source(%dma_start3A_50 : memref<100000x1024xf32, #tpu.memory_space<hbm>>) target(%arg8 : memref<16x1024xf32, #tpu.memory_space<vmem>>) offsets(%dma_start3A_47 : memref<16xi32, #tpu.memory_space<vmem>>) semaphore(%arg12 : memref<!tpu.dma_semaphore, #tpu.memory_space<semaphore_mem>>)
    %parallel_loop3A = arith.constant 0 : i32
    %parallel_loop3A_51 = arith.constant 1024 : i32
    %parallel_loop3A_52 = arith.constant 1 : i32
    scf.for %parallel_loop3A_143 = %parallel_loop3A to %parallel_loop3A_51 step %parallel_loop3A_52  : i32 {
      %parallel_loop3A_144 = arith.constant 6 : i32
      %parallel_loop3A_145 = arith.shrui %parallel_loop3A_143, %parallel_loop3A_144 : i32
      %parallel_loop3A_146 = arith.constant 63 : i32
      %parallel_loop3A_147 = arith.andi %parallel_loop3A_143, %parallel_loop3A_146 : i32
      %parallel_loop3A_148 = arith.constant 4 : i32
      %parallel_loop3A_149 = arith.shli %parallel_loop3A_147, %parallel_loop3A_148 : i32
      %parallel_loop3A_150 = tpu.assume_multiple %parallel_loop3A_149, 16 : i32
      %parallel_loop3A_151 = arith.index_cast %parallel_loop3A_145 : i32 to index
      %parallel_loop3A_152 = arith.index_cast %parallel_loop3A_150 : i32 to index
      %parallel_loop3A_153 = tpu.vector_load %arg6[%parallel_loop3A_151, %parallel_loop3A_152] {strides = array<i32>} : memref<16x1024xf32, #tpu.memory_space<vmem>>, vector<1x16xf32>,
      %parallel_loop3A_154 = vector.shape_cast %parallel_loop3A_153 : vector<1x16xf32> to vector<16xf32>
      %parallel_loop3A_155 = arith.constant 3.200000e+01 : f32
      %parallel_loop3A_156 = vector.broadcast %parallel_loop3A_155 : f32 to vector<16xf32>
      %parallel_loop3A_157 = arith.mulf %parallel_loop3A_154, %parallel_loop3A_156 : vector<16xf32>
      %parallel_loop3A_158 = arith.index_cast %parallel_loop3A_145 : i32 to index
      %parallel_loop3A_159 = arith.index_cast %parallel_loop3A_150 : i32 to index
      %parallel_loop3A_160 = tpu.vector_load %arg6[%parallel_loop3A_158, %parallel_loop3A_159] {strides = array<i32>} : memref<16x1024xf32, #tpu.memory_space<vmem>>, vector<1x16xf32>,
      %parallel_loop3A_161 = vector.shape_cast %parallel_loop3A_160 : vector<1x16xf32> to vector<16xf32>
      %parallel_loop3A_162 = vector.shape_cast %parallel_loop3A_157 : vector<16xf32> to vector<1x16xf32>
      tpu.vector_store %arg6[%parallel_loop3A_158, %parallel_loop3A_159], %parallel_loop3A_162 {strides = array<i32>} : memref<16x1024xf32, #tpu.memory_space<vmem>>, vector<1x16xf32>,
    } {sc.loop_unroll_factor = 8 : i64, sc.parallel_access}
    %add3A_53 = arith.constant 0 : i32
    %add3A_54 = arith.addi %mul3A_32, %add3A_53 : i32
    %dma_start3A_55 = arith.constant 0 : i32
    %dma_start3A_56 = tpu.memref_slice %arg4[%select_n3A, %add3A_54, %dma_start3A_55] : memref<4x4096x1024xf32, #tpu.memory_space<hbm>> -> memref<1x16x1024xf32, #tpu.memory_space<hbm>>
    %dma_start3A_57 = tpu.memref_squeeze %dma_start3A_56 : memref<1x16x1024xf32, #tpu.memory_space<hbm>> -> memref<16x1024xf32, #tpu.memory_space<hbm>>
    %dma_start3A_58 = arith.constant 0 : i32
    %dma_start3A_59 = tpu.memref_slice %arg4[%select_n3A, %add3A_54, %dma_start3A_58] : memref<4x4096x1024xf32, #tpu.memory_space<hbm>> -> memref<1x16x1024xf32, #tpu.memory_space<hbm>>
    %dma_start3A_60 = tpu.memref_squeeze %dma_start3A_59 : memref<1x16x1024xf32, #tpu.memory_space<hbm>> -> memref<16x1024xf32, #tpu.memory_space<hbm>>
    tpu.enqueue_dma source(%arg6 : memref<16x1024xf32, #tpu.memory_space<vmem>>) target(%dma_start3A_60 : memref<16x1024xf32, #tpu.memory_space<hbm>>) target_semaphore(%arg14 : memref<!tpu.dma_semaphore, #tpu.memory_space<semaphore_mem>>)
    %dma_wait3A_61 = arith.constant 0 : i32
    %dma_wait3A_62 = tpu.memref_slice %arg5[%dma_wait3A_61] : memref<512xi32, #tpu.memory_space<vmem>> -> memref<16xi32, #tpu.memory_space<vmem>>
    %dma_wait3A_63 = arith.constant 0 : i32
    %dma_wait3A_64 = arith.constant 0 : i32
    %dma_wait3A_65 = tpu.memref_slice %arg3[%dma_wait3A_63, %dma_wait3A_64] : memref<100000x1024xf32, #tpu.memory_space<hbm>> -> memref<100000x1024xf32, #tpu.memory_space<hbm>>
    tpu.wait_indirect_dma semaphore(%arg11 : memref<!tpu.dma_semaphore, #tpu.memory_space<semaphore_mem>>) src(%dma_wait3A_65 : memref<100000x1024xf32, #tpu.memory_space<hbm>>) dst(%arg7 : memref<16x1024xf32, #tpu.memory_space<vmem>>)
    %dma_start3A_66 = arith.constant 48 : i32
    %dma_start3A_67 = tpu.memref_slice %arg5[%dma_start3A_66] : memref<512xi32, #tpu.memory_space<vmem>> -> memref<16xi32, #tpu.memory_space<vmem>>
    %dma_start3A_68 = arith.constant 0 : i32
    %dma_start3A_69 = arith.constant 0 : i32
    %dma_start3A_70 = tpu.memref_slice %arg3[%dma_start3A_68, %dma_start3A_69] : memref<100000x1024xf32, #tpu.memory_space<hbm>> -> memref<100000x1024xf32, #tpu.memory_space<hbm>>
    tpu.enqueue_indirect_dma source(%dma_start3A_70 : memref<100000x1024xf32, #tpu.memory_space<hbm>>) target(%arg9 : memref<16x1024xf32, #tpu.memory_space<vmem>>) offsets(%dma_start3A_67 : memref<16xi32, #tpu.memory_space<vmem>>) semaphore(%arg13 : memref<!tpu.dma_semaphore, #tpu.memory_space<semaphore_mem>>)
    %parallel_loop3A_71 = arith.constant 0 : i32
    %parallel_loop3A_72 = arith.constant 1024 : i32
    %parallel_loop3A_73 = arith.constant 1 : i32
    scf.for %parallel_loop3A_143 = %parallel_loop3A_71 to %parallel_loop3A_72 step %parallel_loop3A_73  : i32 {
      %parallel_loop3A_144 = arith.constant 6 : i32
      %parallel_loop3A_145 = arith.shrui %parallel_loop3A_143, %parallel_loop3A_144 : i32
      %parallel_loop3A_146 = arith.constant 63 : i32
      %parallel_loop3A_147 = arith.andi %parallel_loop3A_143, %parallel_loop3A_146 : i32
      %parallel_loop3A_148 = arith.constant 4 : i32
      %parallel_loop3A_149 = arith.shli %parallel_loop3A_147, %parallel_loop3A_148 : i32
      %parallel_loop3A_150 = tpu.assume_multiple %parallel_loop3A_149, 16 : i32
      %parallel_loop3A_151 = arith.index_cast %parallel_loop3A_145 : i32 to index
      %parallel_loop3A_152 = arith.index_cast %parallel_loop3A_150 : i32 to index
      %parallel_loop3A_153 = tpu.vector_load %arg7[%parallel_loop3A_151, %parallel_loop3A_152] {strides = array<i32>} : memref<16x1024xf32, #tpu.memory_space<vmem>>, vector<1x16xf32>,
      %parallel_loop3A_154 = vector.shape_cast %parallel_loop3A_153 : vector<1x16xf32> to vector<16xf32>
      %parallel_loop3A_155 = arith.constant 3.200000e+01 : f32
      %parallel_loop3A_156 = vector.broadcast %parallel_loop3A_155 : f32 to vector<16xf32>
      %parallel_loop3A_157 = arith.mulf %parallel_loop3A_154, %parallel_loop3A_156 : vector<16xf32>
      %parallel_loop3A_158 = arith.index_cast %parallel_loop3A_145 : i32 to index
      %parallel_loop3A_159 = arith.index_cast %parallel_loop3A_150 : i32 to index
      %parallel_loop3A_160 = tpu.vector_load %arg7[%parallel_loop3A_158, %parallel_loop3A_159] {strides = array<i32>} : memref<16x1024xf32, #tpu.memory_space<vmem>>, vector<1x16xf32>,
      %parallel_loop3A_161 = vector.shape_cast %parallel_loop3A_160 : vector<1x16xf32> to vector<16xf32>
      %parallel_loop3A_162 = vector.shape_cast %parallel_loop3A_157 : vector<16xf32> to vector<1x16xf32>
      tpu.vector_store %arg7[%parallel_loop3A_158, %parallel_loop3A_159], %parallel_loop3A_162 {strides = array<i32>} : memref<16x1024xf32, #tpu.memory_space<vmem>>, vector<1x16xf32>,
    } {sc.loop_unroll_factor = 8 : i64, sc.parallel_access}
    %add3A_74 = arith.constant 16 : i32
    %add3A_75 = arith.addi %mul3A_32, %add3A_74 : i32
    %dma_start3A_76 = arith.constant 0 : i32
    %dma_start3A_77 = tpu.memref_slice %arg4[%select_n3A, %add3A_75, %dma_start3A_76] : memref<4x4096x1024xf32, #tpu.memory_space<hbm>> -> memref<1x16x1024xf32, #tpu.memory_space<hbm>>
    %dma_start3A_78 = tpu.memref_squeeze %dma_start3A_77 : memref<1x16x1024xf32, #tpu.memory_space<hbm>> -> memref<16x1024xf32, #tpu.memory_space<hbm>>
    %dma_start3A_79 = arith.constant 0 : i32
    %dma_start3A_80 = tpu.memref_slice %arg4[%select_n3A, %add3A_75, %dma_start3A_79] : memref<4x4096x1024xf32, #tpu.memory_space<hbm>> -> memref<1x16x1024xf32, #tpu.memory_space<hbm>>
    %dma_start3A_81 = tpu.memref_squeeze %dma_start3A_80 : memref<1x16x1024xf32, #tpu.memory_space<hbm>> -> memref<16x1024xf32, #tpu.memory_space<hbm>>
    tpu.enqueue_dma source(%arg7 : memref<16x1024xf32, #tpu.memory_space<vmem>>) target(%dma_start3A_81 : memref<16x1024xf32, #tpu.memory_space<hbm>>) target_semaphore(%arg15 : memref<!tpu.dma_semaphore, #tpu.memory_space<semaphore_mem>>)
    %scan3A = arith.constant 0 : i32
    %scan3A_82 = arith.constant 0 : i32
    %scan3A_83 = arith.constant 7 : i32
    %scan3A_84 = arith.addi %scan3A_82, %scan3A_83 : i32
    %scan3A_85 = arith.constant 1 : i32
    scf.for %scan3A_143 = %scan3A_82 to %scan3A_84 step %scan3A_85  : i32 {
      %mul3A_144 = arith.constant 4 : i32
      %mul3A_145 = arith.muli %scan3A_143, %mul3A_144 : i32
      %add3A_146 = arith.constant 2 : i32
      %add3A_147 = arith.addi %add3A_146, %mul3A_145 : i32
      %add3A_148 = arith.constant 0 : i32
      %add3A_149 = arith.addi %add3A_147, %add3A_148 : i32
      %dma_wait3A_150 = arith.constant 0 : i32
      %dma_wait3A_151 = tpu.memref_slice %arg4[%select_n3A, %mul3A_32, %dma_wait3A_150] : memref<4x4096x1024xf32, #tpu.memory_space<hbm>> -> memref<1x16x1024xf32, #tpu.memory_space<hbm>>
      %dma_wait3A_152 = tpu.memref_squeeze %dma_wait3A_151 : memref<1x16x1024xf32, #tpu.memory_space<hbm>> -> memref<16x1024xf32, #tpu.memory_space<hbm>>
      %dma_wait3A_153 = arith.constant 0 : i32
      %dma_wait3A_154 = tpu.memref_slice %arg4[%select_n3A, %mul3A_32, %dma_wait3A_153] : memref<4x4096x1024xf32, #tpu.memory_space<hbm>> -> memref<1x16x1024xf32, #tpu.memory_space<hbm>>
      %dma_wait3A_155 = tpu.memref_squeeze %dma_wait3A_154 : memref<1x16x1024xf32, #tpu.memory_space<hbm>> -> memref<16x1024xf32, #tpu.memory_space<hbm>>
      tpu.wait_dma2 semaphore(%arg14 : memref<!tpu.dma_semaphore, #tpu.memory_space<semaphore_mem>>) src(%arg6 : memref<16x1024xf32, #tpu.memory_space<vmem>>) dst(%dma_wait3A_155 : memref<16x1024xf32, #tpu.memory_space<hbm>>)
      %add3A_156 = arith.constant 2 : i32
      %add3A_157 = arith.addi %add3A_149, %add3A_156 : i32
      %mul3A_158 = arith.constant 16 : i32
      %mul3A_159 = arith.muli %add3A_157, %mul3A_158 : i32
      %dma_start3A_160 = tpu.memref_slice %arg5[%mul3A_159] : memref<512xi32, #tpu.memory_space<vmem>> -> memref<16xi32, #tpu.memory_space<vmem>>
      %dma_start3A_161 = arith.constant 0 : i32
      %dma_start3A_162 = arith.constant 0 : i32
      %dma_start3A_163 = tpu.memref_slice %arg3[%dma_start3A_161, %dma_start3A_162] : memref<100000x1024xf32, #tpu.memory_space<hbm>> -> memref<100000x1024xf32, #tpu.memory_space<hbm>>
      tpu.enqueue_indirect_dma source(%dma_start3A_163 : memref<100000x1024xf32, #tpu.memory_space<hbm>>) target(%arg6 : memref<16x1024xf32, #tpu.memory_space<vmem>>) offsets(%dma_start3A_160 : memref<16xi32, #tpu.memory_space<vmem>>) semaphore(%arg10 : memref<!tpu.dma_semaphore, #tpu.memory_space<semaphore_mem>>)
      %dma_wait3A_164 = arith.constant 0 : i32
      %dma_wait3A_165 = tpu.memref_slice %arg5[%dma_wait3A_164] : memref<512xi32, #tpu.memory_space<vmem>> -> memref<16xi32, #tpu.memory_space<vmem>>
      %dma_wait3A_166 = arith.constant 0 : i32
      %dma_wait3A_167 = arith.constant 0 : i32
      %dma_wait3A_168 = tpu.memref_slice %arg3[%dma_wait3A_166, %dma_wait3A_167] : memref<100000x1024xf32, #tpu.memory_space<hbm>> -> memref<100000x1024xf32, #tpu.memory_space<hbm>>
      tpu.wait_indirect_dma semaphore(%arg12 : memref<!tpu.dma_semaphore, #tpu.memory_space<semaphore_mem>>) src(%dma_wait3A_168 : memref<100000x1024xf32, #tpu.memory_space<hbm>>) dst(%arg8 : memref<16x1024xf32, #tpu.memory_space<vmem>>)
      %parallel_loop3A_169 = arith.constant 0 : i32
      %parallel_loop3A_170 = arith.constant 1024 : i32
      %parallel_loop3A_171 = arith.constant 1 : i32
      scf.for %parallel_loop3A_280 = %parallel_loop3A_169 to %parallel_loop3A_170 step %parallel_loop3A_171  : i32 {
        %parallel_loop3A_281 = arith.constant 6 : i32
        %parallel_loop3A_282 = arith.shrui %parallel_loop3A_280, %parallel_loop3A_281 : i32
        %parallel_loop3A_283 = arith.constant 63 : i32
        %parallel_loop3A_284 = arith.andi %parallel_loop3A_280, %parallel_loop3A_283 : i32
        %parallel_loop3A_285 = arith.constant 4 : i32
        %parallel_loop3A_286 = arith.shli %parallel_loop3A_284, %parallel_loop3A_285 : i32
        %parallel_loop3A_287 = tpu.assume_multiple %parallel_loop3A_286, 16 : i32
        %parallel_loop3A_288 = arith.index_cast %parallel_loop3A_282 : i32 to index
        %parallel_loop3A_289 = arith.index_cast %parallel_loop3A_287 : i32 to index
        %parallel_loop3A_290 = tpu.vector_load %arg8[%parallel_loop3A_288, %parallel_loop3A_289] {strides = array<i32>} : memref<16x1024xf32, #tpu.memory_space<vmem>>, vector<1x16xf32>,
        %parallel_loop3A_291 = vector.shape_cast %parallel_loop3A_290 : vector<1x16xf32> to vector<16xf32>
        %parallel_loop3A_292 = arith.constant 3.200000e+01 : f32
        %parallel_loop3A_293 = vector.broadcast %parallel_loop3A_292 : f32 to vector<16xf32>
        %parallel_loop3A_294 = arith.mulf %parallel_loop3A_291, %parallel_loop3A_293 : vector<16xf32>
        %parallel_loop3A_295 = arith.index_cast %parallel_loop3A_282 : i32 to index
        %parallel_loop3A_296 = arith.index_cast %parallel_loop3A_287 : i32 to index
        %parallel_loop3A_297 = tpu.vector_load %arg8[%parallel_loop3A_295, %parallel_loop3A_296] {strides = array<i32>} : memref<16x1024xf32, #tpu.memory_space<vmem>>, vector<1x16xf32>,
        %parallel_loop3A_298 = vector.shape_cast %parallel_loop3A_297 : vector<1x16xf32> to vector<16xf32>
        %parallel_loop3A_299 = vector.shape_cast %parallel_loop3A_294 : vector<16xf32> to vector<1x16xf32>
        tpu.vector_store %arg8[%parallel_loop3A_295, %parallel_loop3A_296], %parallel_loop3A_299 {strides = array<i32>} : memref<16x1024xf32, #tpu.memory_space<vmem>>, vector<1x16xf32>,
      } {sc.loop_unroll_factor = 8 : i64, sc.parallel_access}
      %mul3A_172 = arith.constant 16 : i32
      %mul3A_173 = arith.muli %add3A_149, %mul3A_172 : i32
      %add3A_174 = arith.addi %mul3A_32, %mul3A_173 : i32
      %dma_start3A_175 = arith.constant 0 : i32
      %dma_start3A_176 = tpu.memref_slice %arg4[%select_n3A, %add3A_174, %dma_start3A_175] : memref<4x4096x1024xf32, #tpu.memory_space<hbm>> -> memref<1x16x1024xf32, #tpu.memory_space<hbm>>
      %dma_start3A_177 = tpu.memref_squeeze %dma_start3A_176 : memref<1x16x1024xf32, #tpu.memory_space<hbm>> -> memref<16x1024xf32, #tpu.memory_space<hbm>>
      %dma_start3A_178 = arith.constant 0 : i32
      %dma_start3A_179 = tpu.memref_slice %arg4[%select_n3A, %add3A_174, %dma_start3A_178] : memref<4x4096x1024xf32, #tpu.memory_space<hbm>> -> memref<1x16x1024xf32, #tpu.memory_space<hbm>>
      %dma_start3A_180 = tpu.memref_squeeze %dma_start3A_179 : memref<1x16x1024xf32, #tpu.memory_space<hbm>> -> memref<16x1024xf32, #tpu.memory_space<hbm>>
      tpu.enqueue_dma source(%arg8 : memref<16x1024xf32, #tpu.memory_space<vmem>>) target(%dma_start3A_180 : memref<16x1024xf32, #tpu.memory_space<hbm>>) target_semaphore(%arg16 : memref<!tpu.dma_semaphore, #tpu.memory_space<semaphore_mem>>)
      %add3A_181 = arith.constant 1 : i32
      %add3A_182 = arith.addi %add3A_147, %add3A_181 : i32
      %dma_wait3A_183 = arith.constant 0 : i32
      %dma_wait3A_184 = tpu.memref_slice %arg4[%select_n3A, %mul3A_32, %dma_wait3A_183] : memref<4x4096x1024xf32, #tpu.memory_space<hbm>> -> memref<1x16x1024xf32, #tpu.memory_space<hbm>>
      %dma_wait3A_185 = tpu.memref_squeeze %dma_wait3A_184 : memref<1x16x1024xf32, #tpu.memory_space<hbm>> -> memref<16x1024xf32, #tpu.memory_space<hbm>>
      %dma_wait3A_186 = arith.constant 0 : i32
      %dma_wait3A_187 = tpu.memref_slice %arg4[%select_n3A, %mul3A_32, %dma_wait3A_186] : memref<4x4096x1024xf32, #tpu.memory_space<hbm>> -> memref<1x16x1024xf32, #tpu.memory_space<hbm>>
      %dma_wait3A_188 = tpu.memref_squeeze %dma_wait3A_187 : memref<1x16x1024xf32, #tpu.memory_space<hbm>> -> memref<16x1024xf32, #tpu.memory_space<hbm>>
      tpu.wait_dma2 semaphore(%arg15 : memref<!tpu.dma_semaphore, #tpu.memory_space<semaphore_mem>>) src(%arg7 : memref<16x1024xf32, #tpu.memory_space<vmem>>) dst(%dma_wait3A_188 : memref<16x1024xf32, #tpu.memory_space<hbm>>)
      %add3A_189 = arith.constant 2 : i32
      %add3A_190 = arith.addi %add3A_182, %add3A_189 : i32
      %mul3A_191 = arith.constant 16 : i32
      %mul3A_192 = arith.muli %add3A_190, %mul3A_191 : i32
      %dma_start3A_193 = tpu.memref_slice %arg5[%mul3A_192] : memref<512xi32, #tpu.memory_space<vmem>> -> memref<16xi32, #tpu.memory_space<vmem>>
      %dma_start3A_194 = arith.constant 0 : i32
      %dma_start3A_195 = arith.constant 0 : i32
      %dma_start3A_196 = tpu.memref_slice %arg3[%dma_start3A_194, %dma_start3A_195] : memref<100000x1024xf32, #tpu.memory_space<hbm>> -> memref<100000x1024xf32, #tpu.memory_space<hbm>>
      tpu.enqueue_indirect_dma source(%dma_start3A_196 : memref<100000x1024xf32, #tpu.memory_space<hbm>>) target(%arg7 : memref<16x1024xf32, #tpu.memory_space<vmem>>) offsets(%dma_start3A_193 : memref<16xi32, #tpu.memory_space<vmem>>) semaphore(%arg11 : memref<!tpu.dma_semaphore, #tpu.memory_space<semaphore_mem>>)
      %dma_wait3A_197 = arith.constant 0 : i32
      %dma_wait3A_198 = tpu.memref_slice %arg5[%dma_wait3A_197] : memref<512xi32, #tpu.memory_space<vmem>> -> memref<16xi32, #tpu.memory_space<vmem>>
      %dma_wait3A_199 = arith.constant 0 : i32
      %dma_wait3A_200 = arith.constant 0 : i32
      %dma_wait3A_201 = tpu.memref_slice %arg3[%dma_wait3A_199, %dma_wait3A_200] : memref<100000x1024xf32, #tpu.memory_space<hbm>> -> memref<100000x1024xf32, #tpu.memory_space<hbm>>
      tpu.wait_indirect_dma semaphore(%arg13 : memref<!tpu.dma_semaphore, #tpu.memory_space<semaphore_mem>>) src(%dma_wait3A_201 : memref<100000x1024xf32, #tpu.memory_space<hbm>>) dst(%arg9 : memref<16x1024xf32, #tpu.memory_space<vmem>>)
      %parallel_loop3A_202 = arith.constant 0 : i32
      %parallel_loop3A_203 = arith.constant 1024 : i32
      %parallel_loop3A_204 = arith.constant 1 : i32
      scf.for %parallel_loop3A_280 = %parallel_loop3A_202 to %parallel_loop3A_203 step %parallel_loop3A_204  : i32 {
        %parallel_loop3A_281 = arith.constant 6 : i32
        %parallel_loop3A_282 = arith.shrui %parallel_loop3A_280, %parallel_loop3A_281 : i32
        %parallel_loop3A_283 = arith.constant 63 : i32
        %parallel_loop3A_284 = arith.andi %parallel_loop3A_280, %parallel_loop3A_283 : i32
        %parallel_loop3A_285 = arith.constant 4 : i32
        %parallel_loop3A_286 = arith.shli %parallel_loop3A_284, %parallel_loop3A_285 : i32
        %parallel_loop3A_287 = tpu.assume_multiple %parallel_loop3A_286, 16 : i32
        %parallel_loop3A_288 = arith.index_cast %parallel_loop3A_282 : i32 to index
        %parallel_loop3A_289 = arith.index_cast %parallel_loop3A_287 : i32 to index
        %parallel_loop3A_290 = tpu.vector_load %arg9[%parallel_loop3A_288, %parallel_loop3A_289] {strides = array<i32>} : memref<16x1024xf32, #tpu.memory_space<vmem>>, vector<1x16xf32>,
        %parallel_loop3A_291 = vector.shape_cast %parallel_loop3A_290 : vector<1x16xf32> to vector<16xf32>
        %parallel_loop3A_292 = arith.constant 3.200000e+01 : f32
        %parallel_loop3A_293 = vector.broadcast %parallel_loop3A_292 : f32 to vector<16xf32>
        %parallel_loop3A_294 = arith.mulf %parallel_loop3A_291, %parallel_loop3A_293 : vector<16xf32>
        %parallel_loop3A_295 = arith.index_cast %parallel_loop3A_282 : i32 to index
        %parallel_loop3A_296 = arith.index_cast %parallel_loop3A_287 : i32 to index
        %parallel_loop3A_297 = tpu.vector_load %arg9[%parallel_loop3A_295, %parallel_loop3A_296] {strides = array<i32>} : memref<16x1024xf32, #tpu.memory_space<vmem>>, vector<1x16xf32>,
        %parallel_loop3A_298 = vector.shape_cast %parallel_loop3A_297 : vector<1x16xf32> to vector<16xf32>
        %parallel_loop3A_299 = vector.shape_cast %parallel_loop3A_294 : vector<16xf32> to vector<1x16xf32>
        tpu.vector_store %arg9[%parallel_loop3A_295, %parallel_loop3A_296], %parallel_loop3A_299 {strides = array<i32>} : memref<16x1024xf32, #tpu.memory_space<vmem>>, vector<1x16xf32>,
      } {sc.loop_unroll_factor = 8 : i64, sc.parallel_access}
      %mul3A_205 = arith.constant 16 : i32
      %mul3A_206 = arith.muli %add3A_182, %mul3A_205 : i32
      %add3A_207 = arith.addi %mul3A_32, %mul3A_206 : i32
      %dma_start3A_208 = arith.constant 0 : i32
      %dma_start3A_209 = tpu.memref_slice %arg4[%select_n3A, %add3A_207, %dma_start3A_208] : memref<4x4096x1024xf32, #tpu.memory_space<hbm>> -> memref<1x16x1024xf32, #tpu.memory_space<hbm>>
      %dma_start3A_210 = tpu.memref_squeeze %dma_start3A_209 : memref<1x16x1024xf32, #tpu.memory_space<hbm>> -> memref<16x1024xf32, #tpu.memory_space<hbm>>
      %dma_start3A_211 = arith.constant 0 : i32
      %dma_start3A_212 = tpu.memref_slice %arg4[%select_n3A, %add3A_207, %dma_start3A_211] : memref<4x4096x1024xf32, #tpu.memory_space<hbm>> -> memref<1x16x1024xf32, #tpu.memory_space<hbm>>
      %dma_start3A_213 = tpu.memref_squeeze %dma_start3A_212 : memref<1x16x1024xf32, #tpu.memory_space<hbm>> -> memref<16x1024xf32, #tpu.memory_space<hbm>>
      tpu.enqueue_dma source(%arg9 : memref<16x1024xf32, #tpu.memory_space<vmem>>) target(%dma_start3A_213 : memref<16x1024xf32, #tpu.memory_space<hbm>>) target_semaphore(%arg17 : memref<!tpu.dma_semaphore, #tpu.memory_space<semaphore_mem>>)
      %add3A_214 = arith.constant 2 : i32
      %add3A_215 = arith.addi %add3A_147, %add3A_214 : i32
      %dma_wait3A_216 = arith.constant 0 : i32
      %dma_wait3A_217 = tpu.memref_slice %arg4[%select_n3A, %mul3A_32, %dma_wait3A_216] : memref<4x4096x1024xf32, #tpu.memory_space<hbm>> -> memref<1x16x1024xf32, #tpu.memory_space<hbm>>
      %dma_wait3A_218 = tpu.memref_squeeze %dma_wait3A_217 : memref<1x16x1024xf32, #tpu.memory_space<hbm>> -> memref<16x1024xf32, #tpu.memory_space<hbm>>
      %dma_wait3A_219 = arith.constant 0 : i32
      %dma_wait3A_220 = tpu.memref_slice %arg4[%select_n3A, %mul3A_32, %dma_wait3A_219] : memref<4x4096x1024xf32, #tpu.memory_space<hbm>> -> memref<1x16x1024xf32, #tpu.memory_space<hbm>>
      %dma_wait3A_221 = tpu.memref_squeeze %dma_wait3A_220 : memref<1x16x1024xf32, #tpu.memory_space<hbm>> -> memref<16x1024xf32, #tpu.memory_space<hbm>>
      tpu.wait_dma2 semaphore(%arg16 : memref<!tpu.dma_semaphore, #tpu.memory_space<semaphore_mem>>) src(%arg8 : memref<16x1024xf32, #tpu.memory_space<vmem>>) dst(%dma_wait3A_221 : memref<16x1024xf32, #tpu.memory_space<hbm>>)
      %add3A_222 = arith.constant 2 : i32
      %add3A_223 = arith.addi %add3A_215, %add3A_222 : i32
      %mul3A_224 = arith.constant 16 : i32
      %mul3A_225 = arith.muli %add3A_223, %mul3A_224 : i32
      %dma_start3A_226 = tpu.memref_slice %arg5[%mul3A_225] : memref<512xi32, #tpu.memory_space<vmem>> -> memref<16xi32, #tpu.memory_space<vmem>>
      %dma_start3A_227 = arith.constant 0 : i32
      %dma_start3A_228 = arith.constant 0 : i32
      %dma_start3A_229 = tpu.memref_slice %arg3[%dma_start3A_227, %dma_start3A_228] : memref<100000x1024xf32, #tpu.memory_space<hbm>> -> memref<100000x1024xf32, #tpu.memory_space<hbm>>
      tpu.enqueue_indirect_dma source(%dma_start3A_229 : memref<100000x1024xf32, #tpu.memory_space<hbm>>) target(%arg8 : memref<16x1024xf32, #tpu.memory_space<vmem>>) offsets(%dma_start3A_226 : memref<16xi32, #tpu.memory_space<vmem>>) semaphore(%arg12 : memref<!tpu.dma_semaphore, #tpu.memory_space<semaphore_mem>>)
      %dma_wait3A_230 = arith.constant 0 : i32
      %dma_wait3A_231 = tpu.memref_slice %arg5[%dma_wait3A_230] : memref<512xi32, #tpu.memory_space<vmem>> -> memref<16xi32, #tpu.memory_space<vmem>>
      %dma_wait3A_232 = arith.constant 0 : i32
      %dma_wait3A_233 = arith.constant 0 : i32
      %dma_wait3A_234 = tpu.memref_slice %arg3[%dma_wait3A_232, %dma_wait3A_233] : memref<100000x1024xf32, #tpu.memory_space<hbm>> -> memref<100000x1024xf32, #tpu.memory_space<hbm>>
      tpu.wait_indirect_dma semaphore(%arg10 : memref<!tpu.dma_semaphore, #tpu.memory_space<semaphore_mem>>) src(%dma_wait3A_234 : memref<100000x1024xf32, #tpu.memory_space<hbm>>) dst(%arg6 : memref<16x1024xf32, #tpu.memory_space<vmem>>)
      %parallel_loop3A_235 = arith.constant 0 : i32
      %parallel_loop3A_236 = arith.constant 1024 : i32
      %parallel_loop3A_237 = arith.constant 1 : i32
      scf.for %parallel_loop3A_280 = %parallel_loop3A_235 to %parallel_loop3A_236 step %parallel_loop3A_237  : i32 {
        %parallel_loop3A_281 = arith.constant 6 : i32
        %parallel_loop3A_282 = arith.shrui %parallel_loop3A_280, %parallel_loop3A_281 : i32
        %parallel_loop3A_283 = arith.constant 63 : i32
        %parallel_loop3A_284 = arith.andi %parallel_loop3A_280, %parallel_loop3A_283 : i32
        %parallel_loop3A_285 = arith.constant 4 : i32
        %parallel_loop3A_286 = arith.shli %parallel_loop3A_284, %parallel_loop3A_285 : i32
        %parallel_loop3A_287 = tpu.assume_multiple %parallel_loop3A_286, 16 : i32
        %parallel_loop3A_288 = arith.index_cast %parallel_loop3A_282 : i32 to index
        %parallel_loop3A_289 = arith.index_cast %parallel_loop3A_287 : i32 to index
        %parallel_loop3A_290 = tpu.vector_load %arg6[%parallel_loop3A_288, %parallel_loop3A_289] {strides = array<i32>} : memref<16x1024xf32, #tpu.memory_space<vmem>>, vector<1x16xf32>,
        %parallel_loop3A_291 = vector.shape_cast %parallel_loop3A_290 : vector<1x16xf32> to vector<16xf32>
        %parallel_loop3A_292 = arith.constant 3.200000e+01 : f32
        %parallel_loop3A_293 = vector.broadcast %parallel_loop3A_292 : f32 to vector<16xf32>
        %parallel_loop3A_294 = arith.mulf %parallel_loop3A_291, %parallel_loop3A_293 : vector<16xf32>
        %parallel_loop3A_295 = arith.index_cast %parallel_loop3A_282 : i32 to index
        %parallel_loop3A_296 = arith.index_cast %parallel_loop3A_287 : i32 to index
        %parallel_loop3A_297 = tpu.vector_load %arg6[%parallel_loop3A_295, %parallel_loop3A_296] {strides = array<i32>} : memref<16x1024xf32, #tpu.memory_space<vmem>>, vector<1x16xf32>,
        %parallel_loop3A_298 = vector.shape_cast %parallel_loop3A_297 : vector<1x16xf32> to vector<16xf32>
        %parallel_loop3A_299 = vector.shape_cast %parallel_loop3A_294 : vector<16xf32> to vector<1x16xf32>
        tpu.vector_store %arg6[%parallel_loop3A_295, %parallel_loop3A_296], %parallel_loop3A_299 {strides = array<i32>} : memref<16x1024xf32, #tpu.memory_space<vmem>>, vector<1x16xf32>,
      } {sc.loop_unroll_factor = 8 : i64, sc.parallel_access}
      %mul3A_238 = arith.constant 16 : i32
      %mul3A_239 = arith.muli %add3A_215, %mul3A_238 : i32
      %add3A_240 = arith.addi %mul3A_32, %mul3A_239 : i32
      %dma_start3A_241 = arith.constant 0 : i32
      %dma_start3A_242 = tpu.memref_slice %arg4[%select_n3A, %add3A_240, %dma_start3A_241] : memref<4x4096x1024xf32, #tpu.memory_space<hbm>> -> memref<1x16x1024xf32, #tpu.memory_space<hbm>>
      %dma_start3A_243 = tpu.memref_squeeze %dma_start3A_242 : memref<1x16x1024xf32, #tpu.memory_space<hbm>> -> memref<16x1024xf32, #tpu.memory_space<hbm>>
      %dma_start3A_244 = arith.constant 0 : i32
      %dma_start3A_245 = tpu.memref_slice %arg4[%select_n3A, %add3A_240, %dma_start3A_244] : memref<4x4096x1024xf32, #tpu.memory_space<hbm>> -> memref<1x16x1024xf32, #tpu.memory_space<hbm>>
      %dma_start3A_246 = tpu.memref_squeeze %dma_start3A_245 : memref<1x16x1024xf32, #tpu.memory_space<hbm>> -> memref<16x1024xf32, #tpu.memory_space<hbm>>
      tpu.enqueue_dma source(%arg6 : memref<16x1024xf32, #tpu.memory_space<vmem>>) target(%dma_start3A_246 : memref<16x1024xf32, #tpu.memory_space<hbm>>) target_semaphore(%arg14 : memref<!tpu.dma_semaphore, #tpu.memory_space<semaphore_mem>>)
      %add3A_247 = arith.constant 3 : i32
      %add3A_248 = arith.addi %add3A_147, %add3A_247 : i32
      %dma_wait3A_249 = arith.constant 0 : i32
      %dma_wait3A_250 = tpu.memref_slice %arg4[%select_n3A, %mul3A_32, %dma_wait3A_249] : memref<4x4096x1024xf32, #tpu.memory_space<hbm>> -> memref<1x16x1024xf32, #tpu.memory_space<hbm>>
      %dma_wait3A_251 = tpu.memref_squeeze %dma_wait3A_250 : memref<1x16x1024xf32, #tpu.memory_space<hbm>> -> memref<16x1024xf32, #tpu.memory_space<hbm>>
      %dma_wait3A_252 = arith.constant 0 : i32
      %dma_wait3A_253 = tpu.memref_slice %arg4[%select_n3A, %mul3A_32, %dma_wait3A_252] : memref<4x4096x1024xf32, #tpu.memory_space<hbm>> -> memref<1x16x1024xf32, #tpu.memory_space<hbm>>
      %dma_wait3A_254 = tpu.memref_squeeze %dma_wait3A_253 : memref<1x16x1024xf32, #tpu.memory_space<hbm>> -> memref<16x1024xf32, #tpu.memory_space<hbm>>
      tpu.wait_dma2 semaphore(%arg17 : memref<!tpu.dma_semaphore, #tpu.memory_space<semaphore_mem>>) src(%arg9 : memref<16x1024xf32, #tpu.memory_space<vmem>>) dst(%dma_wait3A_254 : memref<16x1024xf32, #tpu.memory_space<hbm>>)
      %add3A_255 = arith.constant 2 : i32
      %add3A_256 = arith.addi %add3A_248, %add3A_255 : i32
      %mul3A_257 = arith.constant 16 : i32
      %mul3A_258 = arith.muli %add3A_256, %mul3A_257 : i32
      %dma_start3A_259 = tpu.memref_slice %arg5[%mul3A_258] : memref<512xi32, #tpu.memory_space<vmem>> -> memref<16xi32, #tpu.memory_space<vmem>>
      %dma_start3A_260 = arith.constant 0 : i32
      %dma_start3A_261 = arith.constant 0 : i32
      %dma_start3A_262 = tpu.memref_slice %arg3[%dma_start3A_260, %dma_start3A_261] : memref<100000x1024xf32, #tpu.memory_space<hbm>> -> memref<100000x1024xf32, #tpu.memory_space<hbm>>
      tpu.enqueue_indirect_dma source(%dma_start3A_262 : memref<100000x1024xf32, #tpu.memory_space<hbm>>) target(%arg9 : memref<16x1024xf32, #tpu.memory_space<vmem>>) offsets(%dma_start3A_259 : memref<16xi32, #tpu.memory_space<vmem>>) semaphore(%arg13 : memref<!tpu.dma_semaphore, #tpu.memory_space<semaphore_mem>>)
      %dma_wait3A_263 = arith.constant 0 : i32
      %dma_wait3A_264 = tpu.memref_slice %arg5[%dma_wait3A_263] : memref<512xi32, #tpu.memory_space<vmem>> -> memref<16xi32, #tpu.memory_space<vmem>>
      %dma_wait3A_265 = arith.constant 0 : i32
      %dma_wait3A_266 = arith.constant 0 : i32
      %dma_wait3A_267 = tpu.memref_slice %arg3[%dma_wait3A_265, %dma_wait3A_266] : memref<100000x1024xf32, #tpu.memory_space<hbm>> -> memref<100000x1024xf32, #tpu.memory_space<hbm>>
      tpu.wait_indirect_dma semaphore(%arg11 : memref<!tpu.dma_semaphore, #tpu.memory_space<semaphore_mem>>) src(%dma_wait3A_267 : memref<100000x1024xf32, #tpu.memory_space<hbm>>) dst(%arg7 : memref<16x1024xf32, #tpu.memory_space<vmem>>)
      %parallel_loop3A_268 = arith.constant 0 : i32
      %parallel_loop3A_269 = arith.constant 1024 : i32
      %parallel_loop3A_270 = arith.constant 1 : i32
      scf.for %parallel_loop3A_280 = %parallel_loop3A_268 to %parallel_loop3A_269 step %parallel_loop3A_270  : i32 {
        %parallel_loop3A_281 = arith.constant 6 : i32
        %parallel_loop3A_282 = arith.shrui %parallel_loop3A_280, %parallel_loop3A_281 : i32
        %parallel_loop3A_283 = arith.constant 63 : i32
        %parallel_loop3A_284 = arith.andi %parallel_loop3A_280, %parallel_loop3A_283 : i32
        %parallel_loop3A_285 = arith.constant 4 : i32
        %parallel_loop3A_286 = arith.shli %parallel_loop3A_284, %parallel_loop3A_285 : i32
        %parallel_loop3A_287 = tpu.assume_multiple %parallel_loop3A_286, 16 : i32
        %parallel_loop3A_288 = arith.index_cast %parallel_loop3A_282 : i32 to index
        %parallel_loop3A_289 = arith.index_cast %parallel_loop3A_287 : i32 to index
        %parallel_loop3A_290 = tpu.vector_load %arg7[%parallel_loop3A_288, %parallel_loop3A_289] {strides = array<i32>} : memref<16x1024xf32, #tpu.memory_space<vmem>>, vector<1x16xf32>,
        %parallel_loop3A_291 = vector.shape_cast %parallel_loop3A_290 : vector<1x16xf32> to vector<16xf32>
        %parallel_loop3A_292 = arith.constant 3.200000e+01 : f32
        %parallel_loop3A_293 = vector.broadcast %parallel_loop3A_292 : f32 to vector<16xf32>
        %parallel_loop3A_294 = arith.mulf %parallel_loop3A_291, %parallel_loop3A_293 : vector<16xf32>
        %parallel_loop3A_295 = arith.index_cast %parallel_loop3A_282 : i32 to index
        %parallel_loop3A_296 = arith.index_cast %parallel_loop3A_287 : i32 to index
        %parallel_loop3A_297 = tpu.vector_load %arg7[%parallel_loop3A_295, %parallel_loop3A_296] {strides = array<i32>} : memref<16x1024xf32, #tpu.memory_space<vmem>>, vector<1x16xf32>,
        %parallel_loop3A_298 = vector.shape_cast %parallel_loop3A_297 : vector<1x16xf32> to vector<16xf32>
        %parallel_loop3A_299 = vector.shape_cast %parallel_loop3A_294 : vector<16xf32> to vector<1x16xf32>
        tpu.vector_store %arg7[%parallel_loop3A_295, %parallel_loop3A_296], %parallel_loop3A_299 {strides = array<i32>} : memref<16x1024xf32, #tpu.memory_space<vmem>>, vector<1x16xf32>,
      } {sc.loop_unroll_factor = 8 : i64, sc.parallel_access}
      %mul3A_271 = arith.constant 16 : i32
      %mul3A_272 = arith.muli %add3A_248, %mul3A_271 : i32
      %add3A_273 = arith.addi %mul3A_32, %mul3A_272 : i32
      %dma_start3A_274 = arith.constant 0 : i32
      %dma_start3A_275 = tpu.memref_slice %arg4[%select_n3A, %add3A_273, %dma_start3A_274] : memref<4x4096x1024xf32, #tpu.memory_space<hbm>> -> memref<1x16x1024xf32, #tpu.memory_space<hbm>>
      %dma_start3A_276 = tpu.memref_squeeze %dma_start3A_275 : memref<1x16x1024xf32, #tpu.memory_space<hbm>> -> memref<16x1024xf32, #tpu.memory_space<hbm>>
      %dma_start3A_277 = arith.constant 0 : i32
      %dma_start3A_278 = tpu.memref_slice %arg4[%select_n3A, %add3A_273, %dma_start3A_277] : memref<4x4096x1024xf32, #tpu.memory_space<hbm>> -> memref<1x16x1024xf32, #tpu.memory_space<hbm>>
      %dma_start3A_279 = tpu.memref_squeeze %dma_start3A_278 : memref<1x16x1024xf32, #tpu.memory_space<hbm>> -> memref<16x1024xf32, #tpu.memory_space<hbm>>
      tpu.enqueue_dma source(%arg7 : memref<16x1024xf32, #tpu.memory_space<vmem>>) target(%dma_start3A_279 : memref<16x1024xf32, #tpu.memory_space<hbm>>) target_semaphore(%arg15 : memref<!tpu.dma_semaphore, #tpu.memory_space<semaphore_mem>>)
    }
    %scan3A_86 = arith.constant 7 : i32
    %dma_wait3A_87 = arith.constant 0 : i32
    %dma_wait3A_88 = tpu.memref_slice %arg5[%dma_wait3A_87] : memref<512xi32, #tpu.memory_space<vmem>> -> memref<16xi32, #tpu.memory_space<vmem>>
    %dma_wait3A_89 = arith.constant 0 : i32
    %dma_wait3A_90 = arith.constant 0 : i32
    %dma_wait3A_91 = tpu.memref_slice %arg3[%dma_wait3A_89, %dma_wait3A_90] : memref<100000x1024xf32, #tpu.memory_space<hbm>> -> memref<100000x1024xf32, #tpu.memory_space<hbm>>
    tpu.wait_indirect_dma semaphore(%arg12 : memref<!tpu.dma_semaphore, #tpu.memory_space<semaphore_mem>>) src(%dma_wait3A_91 : memref<100000x1024xf32, #tpu.memory_space<hbm>>) dst(%arg8 : memref<16x1024xf32, #tpu.memory_space<vmem>>)
    %parallel_loop3A_92 = arith.constant 0 : i32
    %parallel_loop3A_93 = arith.constant 1024 : i32
    %parallel_loop3A_94 = arith.constant 1 : i32
    scf.for %parallel_loop3A_143 = %parallel_loop3A_92 to %parallel_loop3A_93 step %parallel_loop3A_94  : i32 {
      %parallel_loop3A_144 = arith.constant 6 : i32
      %parallel_loop3A_145 = arith.shrui %parallel_loop3A_143, %parallel_loop3A_144 : i32
      %parallel_loop3A_146 = arith.constant 63 : i32
      %parallel_loop3A_147 = arith.andi %parallel_loop3A_143, %parallel_loop3A_146 : i32
      %parallel_loop3A_148 = arith.constant 4 : i32
      %parallel_loop3A_149 = arith.shli %parallel_loop3A_147, %parallel_loop3A_148 : i32
      %parallel_loop3A_150 = tpu.assume_multiple %parallel_loop3A_149, 16 : i32
      %parallel_loop3A_151 = arith.index_cast %parallel_loop3A_145 : i32 to index
      %parallel_loop3A_152 = arith.index_cast %parallel_loop3A_150 : i32 to index
      %parallel_loop3A_153 = tpu.vector_load %arg8[%parallel_loop3A_151, %parallel_loop3A_152] {strides = array<i32>} : memref<16x1024xf32, #tpu.memory_space<vmem>>, vector<1x16xf32>,
      %parallel_loop3A_154 = vector.shape_cast %parallel_loop3A_153 : vector<1x16xf32> to vector<16xf32>
      %parallel_loop3A_155 = arith.constant 3.200000e+01 : f32
      %parallel_loop3A_156 = vector.broadcast %parallel_loop3A_155 : f32 to vector<16xf32>
      %parallel_loop3A_157 = arith.mulf %parallel_loop3A_154, %parallel_loop3A_156 : vector<16xf32>
      %parallel_loop3A_158 = arith.index_cast %parallel_loop3A_145 : i32 to index
      %parallel_loop3A_159 = arith.index_cast %parallel_loop3A_150 : i32 to index
      %parallel_loop3A_160 = tpu.vector_load %arg8[%parallel_loop3A_158, %parallel_loop3A_159] {strides = array<i32>} : memref<16x1024xf32, #tpu.memory_space<vmem>>, vector<1x16xf32>,
      %parallel_loop3A_161 = vector.shape_cast %parallel_loop3A_160 : vector<1x16xf32> to vector<16xf32>
      %parallel_loop3A_162 = vector.shape_cast %parallel_loop3A_157 : vector<16xf32> to vector<1x16xf32>
      tpu.vector_store %arg8[%parallel_loop3A_158, %parallel_loop3A_159], %parallel_loop3A_162 {strides = array<i32>} : memref<16x1024xf32, #tpu.memory_space<vmem>>, vector<1x16xf32>,
    } {sc.loop_unroll_factor = 8 : i64, sc.parallel_access}
    %add3A_95 = arith.constant 480 : i32
    %add3A_96 = arith.addi %mul3A_32, %add3A_95 : i32
    %dma_start3A_97 = arith.constant 0 : i32
    %dma_start3A_98 = tpu.memref_slice %arg4[%select_n3A, %add3A_96, %dma_start3A_97] : memref<4x4096x1024xf32, #tpu.memory_space<hbm>> -> memref<1x16x1024xf32, #tpu.memory_space<hbm>>
    %dma_start3A_99 = tpu.memref_squeeze %dma_start3A_98 : memref<1x16x1024xf32, #tpu.memory_space<hbm>> -> memref<16x1024xf32, #tpu.memory_space<hbm>>
    %dma_start3A_100 = arith.constant 0 : i32
    %dma_start3A_101 = tpu.memref_slice %arg4[%select_n3A, %add3A_96, %dma_start3A_100] : memref<4x4096x1024xf32, #tpu.memory_space<hbm>> -> memref<1x16x1024xf32, #tpu.memory_space<hbm>>
    %dma_start3A_102 = tpu.memref_squeeze %dma_start3A_101 : memref<1x16x1024xf32, #tpu.memory_space<hbm>> -> memref<16x1024xf32, #tpu.memory_space<hbm>>
    tpu.enqueue_dma source(%arg8 : memref<16x1024xf32, #tpu.memory_space<vmem>>) target(%dma_start3A_102 : memref<16x1024xf32, #tpu.memory_space<hbm>>) target_semaphore(%arg16 : memref<!tpu.dma_semaphore, #tpu.memory_space<semaphore_mem>>)
    %dma_wait3A_103 = arith.constant 0 : i32
    %dma_wait3A_104 = tpu.memref_slice %arg5[%dma_wait3A_103] : memref<512xi32, #tpu.memory_space<vmem>> -> memref<16xi32, #tpu.memory_space<vmem>>
    %dma_wait3A_105 = arith.constant 0 : i32
    %dma_wait3A_106 = arith.constant 0 : i32
    %dma_wait3A_107 = tpu.memref_slice %arg3[%dma_wait3A_105, %dma_wait3A_106] : memref<100000x1024xf32, #tpu.memory_space<hbm>> -> memref<100000x1024xf32, #tpu.memory_space<hbm>>
    tpu.wait_indirect_dma semaphore(%arg13 : memref<!tpu.dma_semaphore, #tpu.memory_space<semaphore_mem>>) src(%dma_wait3A_107 : memref<100000x1024xf32, #tpu.memory_space<hbm>>) dst(%arg9 : memref<16x1024xf32, #tpu.memory_space<vmem>>)
    %parallel_loop3A_108 = arith.constant 0 : i32
    %parallel_loop3A_109 = arith.constant 1024 : i32
    %parallel_loop3A_110 = arith.constant 1 : i32
    scf.for %parallel_loop3A_143 = %parallel_loop3A_108 to %parallel_loop3A_109 step %parallel_loop3A_110  : i32 {
      %parallel_loop3A_144 = arith.constant 6 : i32
      %parallel_loop3A_145 = arith.shrui %parallel_loop3A_143, %parallel_loop3A_144 : i32
      %parallel_loop3A_146 = arith.constant 63 : i32
      %parallel_loop3A_147 = arith.andi %parallel_loop3A_143, %parallel_loop3A_146 : i32
      %parallel_loop3A_148 = arith.constant 4 : i32
      %parallel_loop3A_149 = arith.shli %parallel_loop3A_147, %parallel_loop3A_148 : i32
      %parallel_loop3A_150 = tpu.assume_multiple %parallel_loop3A_149, 16 : i32
      %parallel_loop3A_151 = arith.index_cast %parallel_loop3A_145 : i32 to index
      %parallel_loop3A_152 = arith.index_cast %parallel_loop3A_150 : i32 to index
      %parallel_loop3A_153 = tpu.vector_load %arg9[%parallel_loop3A_151, %parallel_loop3A_152] {strides = array<i32>} : memref<16x1024xf32, #tpu.memory_space<vmem>>, vector<1x16xf32>,
      %parallel_loop3A_154 = vector.shape_cast %parallel_loop3A_153 : vector<1x16xf32> to vector<16xf32>
      %parallel_loop3A_155 = arith.constant 3.200000e+01 : f32
      %parallel_loop3A_156 = vector.broadcast %parallel_loop3A_155 : f32 to vector<16xf32>
      %parallel_loop3A_157 = arith.mulf %parallel_loop3A_154, %parallel_loop3A_156 : vector<16xf32>
      %parallel_loop3A_158 = arith.index_cast %parallel_loop3A_145 : i32 to index
      %parallel_loop3A_159 = arith.index_cast %parallel_loop3A_150 : i32 to index
      %parallel_loop3A_160 = tpu.vector_load %arg9[%parallel_loop3A_158, %parallel_loop3A_159] {strides = array<i32>} : memref<16x1024xf32, #tpu.memory_space<vmem>>, vector<1x16xf32>,
      %parallel_loop3A_161 = vector.shape_cast %parallel_loop3A_160 : vector<1x16xf32> to vector<16xf32>
      %parallel_loop3A_162 = vector.shape_cast %parallel_loop3A_157 : vector<16xf32> to vector<1x16xf32>
      tpu.vector_store %arg9[%parallel_loop3A_158, %parallel_loop3A_159], %parallel_loop3A_162 {strides = array<i32>} : memref<16x1024xf32, #tpu.memory_space<vmem>>, vector<1x16xf32>,
    } {sc.loop_unroll_factor = 8 : i64, sc.parallel_access}
    %add3A_111 = arith.constant 496 : i32
    %add3A_112 = arith.addi %mul3A_32, %add3A_111 : i32
    %dma_start3A_113 = arith.constant 0 : i32
    %dma_start3A_114 = tpu.memref_slice %arg4[%select_n3A, %add3A_112, %dma_start3A_113] : memref<4x4096x1024xf32, #tpu.memory_space<hbm>> -> memref<1x16x1024xf32, #tpu.memory_space<hbm>>
    %dma_start3A_115 = tpu.memref_squeeze %dma_start3A_114 : memref<1x16x1024xf32, #tpu.memory_space<hbm>> -> memref<16x1024xf32, #tpu.memory_space<hbm>>
    %dma_start3A_116 = arith.constant 0 : i32
    %dma_start3A_117 = tpu.memref_slice %arg4[%select_n3A, %add3A_112, %dma_start3A_116] : memref<4x4096x1024xf32, #tpu.memory_space<hbm>> -> memref<1x16x1024xf32, #tpu.memory_space<hbm>>
    %dma_start3A_118 = tpu.memref_squeeze %dma_start3A_117 : memref<1x16x1024xf32, #tpu.memory_space<hbm>> -> memref<16x1024xf32, #tpu.memory_space<hbm>>
    tpu.enqueue_dma source(%arg9 : memref<16x1024xf32, #tpu.memory_space<vmem>>) target(%dma_start3A_118 : memref<16x1024xf32, #tpu.memory_space<hbm>>) target_semaphore(%arg17 : memref<!tpu.dma_semaphore, #tpu.memory_space<semaphore_mem>>)
    %dma_wait3A_119 = arith.constant 0 : i32
    %dma_wait3A_120 = tpu.memref_slice %arg4[%select_n3A, %mul3A_32, %dma_wait3A_119] : memref<4x4096x1024xf32, #tpu.memory_space<hbm>> -> memref<1x16x1024xf32, #tpu.memory_space<hbm>>
    %dma_wait3A_121 = tpu.memref_squeeze %dma_wait3A_120 : memref<1x16x1024xf32, #tpu.memory_space<hbm>> -> memref<16x1024xf32, #tpu.memory_space<hbm>>
    %dma_wait3A_122 = arith.constant 0 : i32
    %dma_wait3A_123 = tpu.memref_slice %arg4[%select_n3A, %mul3A_32, %dma_wait3A_122] : memref<4x4096x1024xf32, #tpu.memory_space<hbm>> -> memref<1x16x1024xf32, #tpu.memory_space<hbm>>
    %dma_wait3A_124 = tpu.memref_squeeze %dma_wait3A_123 : memref<1x16x1024xf32, #tpu.memory_space<hbm>> -> memref<16x1024xf32, #tpu.memory_space<hbm>>
    tpu.wait_dma2 semaphore(%arg14 : memref<!tpu.dma_semaphore, #tpu.memory_space<semaphore_mem>>) src(%arg6 : memref<16x1024xf32, #tpu.memory_space<vmem>>) dst(%dma_wait3A_124 : memref<16x1024xf32, #tpu.memory_space<hbm>>)
    %dma_wait3A_125 = arith.constant 0 : i32
    %dma_wait3A_126 = tpu.memref_slice %arg4[%select_n3A, %mul3A_32, %dma_wait3A_125] : memref<4x4096x1024xf32, #tpu.memory_space<hbm>> -> memref<1x16x1024xf32, #tpu.memory_space<hbm>>
    %dma_wait3A_127 = tpu.memref_squeeze %dma_wait3A_126 : memref<1x16x1024xf32, #tpu.memory_space<hbm>> -> memref<16x1024xf32, #tpu.memory_space<hbm>>
    %dma_wait3A_128 = arith.constant 0 : i32
    %dma_wait3A_129 = tpu.memref_slice %arg4[%select_n3A, %mul3A_32, %dma_wait3A_128] : memref<4x4096x1024xf32, #tpu.memory_space<hbm>> -> memref<1x16x1024xf32, #tpu.memory_space<hbm>>
    %dma_wait3A_130 = tpu.memref_squeeze %dma_wait3A_129 : memref<1x16x1024xf32, #tpu.memory_space<hbm>> -> memref<16x1024xf32, #tpu.memory_space<hbm>>
    tpu.wait_dma2 semaphore(%arg15 : memref<!tpu.dma_semaphore, #tpu.memory_space<semaphore_mem>>) src(%arg7 : memref<16x1024xf32, #tpu.memory_space<vmem>>) dst(%dma_wait3A_130 : memref<16x1024xf32, #tpu.memory_space<hbm>>)
    %dma_wait3A_131 = arith.constant 0 : i32
    %dma_wait3A_132 = tpu.memref_slice %arg4[%select_n3A, %mul3A_32, %dma_wait3A_131] : memref<4x4096x1024xf32, #tpu.memory_space<hbm>> -> memref<1x16x1024xf32, #tpu.memory_space<hbm>>
    %dma_wait3A_133 = tpu.memref_squeeze %dma_wait3A_132 : memref<1x16x1024xf32, #tpu.memory_space<hbm>> -> memref<16x1024xf32, #tpu.memory_space<hbm>>
    %dma_wait3A_134 = arith.constant 0 : i32
    %dma_wait3A_135 = tpu.memref_slice %arg4[%select_n3A, %mul3A_32, %dma_wait3A_134] : memref<4x4096x1024xf32, #tpu.memory_space<hbm>> -> memref<1x16x1024xf32, #tpu.memory_space<hbm>>
    %dma_wait3A_136 = tpu.memref_squeeze %dma_wait3A_135 : memref<1x16x1024xf32, #tpu.memory_space<hbm>> -> memref<16x1024xf32, #tpu.memory_space<hbm>>
    tpu.wait_dma2 semaphore(%arg16 : memref<!tpu.dma_semaphore, #tpu.memory_space<semaphore_mem>>) src(%arg8 : memref<16x1024xf32, #tpu.memory_space<vmem>>) dst(%dma_wait3A_136 : memref<16x1024xf32, #tpu.memory_space<hbm>>)
    %dma_wait3A_137 = arith.constant 0 : i32
    %dma_wait3A_138 = tpu.memref_slice %arg4[%select_n3A, %mul3A_32, %dma_wait3A_137] : memref<4x4096x1024xf32, #tpu.memory_space<hbm>> -> memref<1x16x1024xf32, #tpu.memory_space<hbm>>
    %dma_wait3A_139 = tpu.memref_squeeze %dma_wait3A_138 : memref<1x16x1024xf32, #tpu.memory_space<hbm>> -> memref<16x1024xf32, #tpu.memory_space<hbm>>
    %dma_wait3A_140 = arith.constant 0 : i32
    %dma_wait3A_141 = tpu.memref_slice %arg4[%select_n3A, %mul3A_32, %dma_wait3A_140] : memref<4x4096x1024xf32, #tpu.memory_space<hbm>> -> memref<1x16x1024xf32, #tpu.memory_space<hbm>>
    %dma_wait3A_142 = tpu.memref_squeeze %dma_wait3A_141 : memref<1x16x1024xf32, #tpu.memory_space<hbm>> -> memref<16x1024xf32, #tpu.memory_space<hbm>>
    tpu.wait_dma2 semaphore(%arg17 : memref<!tpu.dma_semaphore, #tpu.memory_space<semaphore_mem>>) src(%arg9 : memref<16x1024xf32, #tpu.memory_space<vmem>>) dst(%dma_wait3A_142 : memref<16x1024xf32, #tpu.memory_space<hbm>>)
    return
  }
}

</mosaic_0001>

<sc_bundles>
// kernel: _embed.3.cloned.1.call-start
scs
__scs_entry_jumppad:
0x0: {  	(pc) =	sbr.rel $0x88, $3  }
0x1: {  	(tag) =	ssettag $0x0;
	lr =	simm.s32 $0x1  }
0x2: {  	[smem:$0x3F9F] =	sst lr;
	_ =	strace $0xD0000000  }
0x3: {  	_ = 	snop  }
0x4: {  	_ = 	snop  }
0x5: {  	_ = 	snop  }
0x6: {  	_ = 	snop  }
0x7: {  	_ = 	snop  }
__scs_overlays_trampoline_lowered:
0x8: {  	[smem:$0x3FAE] =	sst s0  }
0x9: {  	[smem:$0x3FAF] =	sst s1  }
0xa: {  	[smem:$0x3FB0] =	sst s2  }
0xb: {  	[smem:$0x3FB1] =	sst s3  }
0xc: {  	[smem:$0x3FB2] =	sst s4  }
0xd: {  	[smem:$0x3FB3] =	sst s5  }
0xe: {  	[smem:$0x3FB4] =	sst s6  }
0xf: {  	[smem:$0x3FB5] =	sst s7  }
0x10: {  	[smem:$0x3FB6] =	sst s8  }
0x11: {  	[smem:$0x3FB7] =	sst s9;
	s0 =	simm.s32 @!p0 $0x0  }
0x12: {  	s1 =	sld [smem:$0x3F9D];
	s0 =	simm.s32 @p0 $0x1  }
0x13: {  	[smem:$0x3FB8] =	sst s0;
	s0 =	simm.s32 @!p1 $0x0  }
0x14: {  	s2 =	sld [smem:$0x3F9C];
	s0 =	simm.s32 @p1 $0x1  }
0x15: {  	[smem:$0x3FB9] =	sst s0;
	s0 =	simm.s32 @!p2 $0x0  }
0x16: {  	s3 =	sld [smem:$0x3FDB];
	s0 =	simm.s32 @p2 $0x1  }
0x17: {  	s4 =	simm.s32 $0x1BF5;
	[smem:$0x3FBB] =	sst s0  }
0x18: {  	s0 =	sld [smem:$0x3F9E];
	_ =	swait.ge [sflag:s4], $0x0  }
0x19: {  	s7 =	sld [smem:$0x3F9F]  }
0x1a: {  	s8 =	sadd.s32 $0xFFFFE003, lr  }
0x1b: {  	s9 =	sadd.s32 $0xFFFFFEF7, lr;
	s5 =	simm.s32 $0xFFFFFFFF;
	p2 =	slt.u32 s8, $0xFFFFF086  }
0x1c: {  	p1 =	slt.u32 s9, $0xF7A;
	s5 =	simm.s32 @!p2 $0x0  }
0x1d: {  	s5 =	simm.s32 @p1 $0x1;
	p0 =	seq.s32 s7, s2  }
0x1e: {  	s7 =	smul.u32 @!p0 $0xF7A, s2;
	p2 =	seq.s32 @!p0 s5, $0x0  }
0x1f: {  	s9 =	smul.u32 $0xF7A, s1;
	s8 =	simm.s32 @!p0 $0x1BF5;
	p2 =	por !p2, p0  }
0x20: {  	[sflag:s8] =	ssyncset.s32 @!p0 $0xFFFFF086;
	s6 =	sadd.s32 @!p0 s3, s7;
	s7 =	simm.s32 @!p0 $0x108  }
0x21: {  	s3 =	sadd.s32 s3, s9;
	s6 =	sadd.s32 @!p0 $0x88, s6;
	s7 =	simm.s32 @p2 $0x1082  }
0x22: {  	[simem:s7], [sflag:s8] =	dma.local @!p0 [hbm:s6], $0xF7A  }
0x23: {  	s9 =	sor.u32 $0xD0000000, s2;
	s6 =	simm.s32 $0x108;
	_ =	swait.ge @!p0 [sflag:s8], $0x0  }
0x24: {  	s3 =	sadd.s32 $0x88, s3;
	s6 =	simm.s32 @!p1 $0x1082;
	[sflag:s4] =	ssyncset.s32 $0xFFFFF086  }
0x25: {  	[simem:s6], [sflag:s4] =	dma.local [hbm:s3], $0xF7A  }
0x26: {  	[smem:$0x3F9F] =	sst s1;
	(tag) =	ssettag s2;
	_ =	strace s9  }
0x27: {  	s1 =	sld [smem:$0x3FAF]  }
0x28: {  	s2 =	sld [smem:$0x3FB0]  }
0x29: {  	s4 =	sld [smem:$0x3FB2]  }
0x2a: {  	p0 =	seq.s32 s5, $0x0;
	s5 =	sld [smem:$0x3FB3]  }
0x2b: {  	s6 =	sld [smem:$0x3FB4]  }
0x2c: {  	s7 =	sld [smem:$0x3FB5]  }
0x2d: {  	s3 =	simm.s32 $0x108;
	s8 =	sld [smem:$0x3FB6]  }
0x2e: {  	s3 =	simm.s32 @!p0 $0x1082;
	s9 =	sld [smem:$0x3FB7]  }
0x2f: {  	lr =	sadd.s32 s0, s3;
	s0 =	sld [smem:$0x3FAE]  }
0x30: {  	s3 =	sld [smem:$0x3FB1]  }
0x31: {  	[smem:$0x3FBA] =	sst s10  }
0x32: {  	s10 =	sld [smem:$0x3FB8];
	_ =	sdelay $0x3  }
0x33: {  	p0 =	seq.s32 s10, $0x1;
	s10 =	sld [smem:$0x3FBA];
	_ =	sdelay $0x3  }
0x34: {  	[smem:$0x3FBA] =	sst s10  }
0x35: {  	s10 =	sld [smem:$0x3FB9];
	_ =	sdelay $0x3  }
0x36: {  	p1 =	seq.s32 s10, $0x1;
	s10 =	sld [smem:$0x3FBA];
	_ =	sdelay $0x3  }
0x37: {  	[smem:$0x3FBA] =	sst s10  }
0x38: {  	s10 =	sld [smem:$0x3FBB]  }
0x39: {  	_ = 	snop;
	(pc) =	sbr.ind lr, $3  }
0x3a: {  	_ = 	snop  }
0x3b: {  	_ = 	snop  }
0x3c: {  	p2 =	seq.s32 s10, $0x1;
	s10 =	sld [smem:$0x3FBA]  }
0x3d: {  	_ =	shalt  }
0x3e: {  	_ =	shalt  }
0x3f: {  	_ =	shalt  }
0x40: {  	_ =	shalt  }
0x41: {  	_ =	shalt  }
0x42: {  	_ =	shalt  }
0x43: {  	_ =	shalt  }
0x44: {  	_ =	shalt  }
0x45: {  	_ =	shalt  }
0x46: {  	_ =	shalt  }
0x47: {  	_ =	shalt  }
0x48: {  	_ =	shalt  }
0x49: {  	_ =	shalt  }
0x4a: {  	_ =	shalt  }
0x4b: {  	_ =	shalt  }
0x4c: {  	_ =	shalt  }
0x4d: {  	_ =	shalt  }
0x4e: {  	_ =	shalt  }
0x4f: {  	_ =	shalt  }
0x50: {  	_ =	shalt  }
0x51: {  	_ =	shalt  }
0x52: {  	_ =	shalt  }
0x53: {  	_ =	shalt  }
0x54: {  	_ =	shalt  }
0x55: {  	_ =	shalt  }
0x56: {  	_ =	shalt  }
0x57: {  	_ =	shalt  }
0x58: {  	_ =	shalt  }
0x59: {  	_ =	shalt  }
0x5a: {  	_ =	shalt  }
0x5b: {  	_ =	shalt  }
0x5c: {  	_ =	shalt  }
0x5d: {  	_ =	shalt  }
0x5e: {  	_ =	shalt  }
0x5f: {  	_ =	shalt  }
0x60: {  	_ =	shalt  }
0x61: {  	_ =	shalt  }
0x62: {  	_ =	shalt  }
0x63: {  	_ =	shalt  }
0x64: {  	_ =	shalt  }
0x65: {  	_ =	shalt  }
0x66: {  	_ =	shalt  }
0x67: {  	_ =	shalt  }
0x68: {  	_ =	shalt  }
0x69: {  	_ =	shalt  }
0x6a: {  	_ =	shalt  }
0x6b: {  	_ =	shalt  }
0x6c: {  	_ =	shalt  }
0x6d: {  	_ =	shalt  }
0x6e: {  	_ =	shalt  }
0x6f: {  	_ =	shalt  }
0x70: {  	_ =	shalt  }
0x71: {  	_ =	shalt  }
0x72: {  	_ =	shalt  }
0x73: {  	_ =	shalt  }
0x74: {  	_ =	shalt  }
0x75: {  	_ =	shalt  }
0x76: {  	_ =	shalt  }
0x77: {  	_ =	shalt  }
0x78: {  	_ =	shalt  }
0x79: {  	_ =	shalt  }
0x7a: {  	_ =	shalt  }
0x7b: {  	_ =	shalt  }
0x7c: {  	_ =	shalt  }
0x7d: {  	_ =	shalt  }
0x7e: {  	_ =	shalt  }
0x7f: {  	_ =	shalt  }
0x80: {  	_ =	shalt  }
0x81: {  	_ =	shalt  }
0x82: {  	_ =	shalt  }
0x83: {  	_ =	shalt  }
0x84: {  	_ =	shalt  }
0x85: {  	_ =	shalt  }
0x86: {  	_ =	shalt  }
0x87: {  	_ =	shalt  }
.Lfunc_end0:
.L_simem_size_0:
called_computation_lowered:
.L_overlay_start_0:
0x88: {  	s2 =	sld [smem:$0x3FD9]  }
0x89: {  	s3 =	sld [smem:$0x3FFE];
	_ =	sdelay $0x1  }
0x8a: {  	s1 =	srdreg.scid  }
0x8b: {  	s0 =	sand.u32 $0x1, s1  }
0x8c: {  	s18 =	sshll.u32 s0, $0xA;
	s2 =	sadd.s32 s3, s2  }
0x8d: {  	s2 =	sadd.s32 s2, s18  }
0x8e: {  	[smem:$0x3FC6] =	sst s2  }
0x8f: {  	_ = 	snop  }
0x90: {  	s2 =	sld [smem:$0x3FC9]  }
0x91: {  	s19 =	sld [smem:$0x3FC8]  }
0x92: {  	s4 =	sld [smem:$0x3FD0];
	(tm) =	ssettm $0x1  }
0x93: {  	s5 =	sld [smem:$0x3FFB];
	_ =	sdelay $0x3  }
0x94: {  	_ =	strace s5  }
0x95: {  	s5 =	sld [smem:$0x3FFC];
	_ =	sdelay $0x3  }
0x96: {  	_ =	strace s5  }
0x97: {  	s5 =	sld [smem:$0x3FFD];
	_ =	sdelay $0x3  }
0x98: {  	_ =	strace s5  }
0x99: {  	_ =	strace $0x8FFFFFFF  }
0x9a: {  	s20 =	sld [smem:$0x3FDB];
	_ =	sdelay $0x1  }
0x9b: {  	s6 =	simm.s32 $_scs_section_size  }
0x9c: {  	s7 =	simm.s32 $_size__tile_overlayer_lowered;
	s8 =	simm.s32 $_tile_overlayer_lowered  }
0x9d: {  	s23 =	simm.s32 $0x1BFF;
	s22 =	sshll.u32 s8, $0x1;
	s5 =	sadd.s32 s6, s20  }
0x9e: {  	s9 =	simm.s32 $0x0;
	s21 =	sshll.u32 s7, $0x1;
	s7 =	sadd.s32 s22, s5  }
0x9f: {  	[timem:s9], [sflag:s23] =	dma.local [hbm:s7], s21  }
0xa0: {  	_ =	swait.ge [sflag:s23], s21  }
0xa1: {  	s6 =	ssub.s32 $0x0, s21;
	[sflag:s23] =	ssyncset.done $0x0  }
0xa2: {  	[sflag:s23] =	ssyncadd.s32 s6;
	_ =	sdelay $0x1  }
0xa3: {  	s24 =	simm.s32 $0x1B8B  }
0xa4: {  	_ =	swait.ge [sflag:s24], $0x1  }
0xa5: {  	[sflag:s24] =	ssyncset.done $0x0  }
0xa6: {  	s25 =	simm.s32 $0x1B8E;
	[sflag:s24] =	ssyncadd.s32 $0xFFFFFFFF  }
0xa7: {  	s26 =	simm.s32 $execute0_lowered;
	[smem:$0x3FD2] =	sst s25  }
0xa8: {  	s6 =	sshll.u32 s26, $0x1;
	_ =	strace $0x80000046;
	[dreg:$0x1] =	wrdreg $0xFFFFFFFF  }
0xa9: {  	s28 =	simm.s32 $_size_execute0_lowered;
	s5 =	sadd.s32 s5, s6;
	[dreg:$0x0] =	wrdreg $0x0  }
0xaa: {  	s6 =	sshll.u32 s28, $0x1;
	[dreg:$0x2] =	wrdreg s5  }
0xab: {  	[dreg:$0x3] =	wrdreg s6  }
0xac: {  	[dreg:$0x4] =	wrdreg $0xC0  }
0xad: {  	_ =	task [dreg:s9], $0x5FFFF  }
0xae: {  	[dreg:$0x1] =	wrdreg $0xFFFFFFFF  }
0xaf: {  	[dreg:$0x0] =	wrdreg $0x60  }
0xb0: {  	[dreg:$0x2] =	wrdreg s2  }
0xb1: {  	[dreg:$0x3] =	wrdreg s19  }
0xb2: {  	[dreg:$0x4] =	wrdreg s4  }
0xb3: {  	[dreg:$0x5] =	wrdreg $0x9  }
0xb4: {  	_ =	task.clear_ibuf [dreg:s9], $0x6FFFF;
	_ =	strace $0x90000046  }
0xb5: {  	s29 =	simm.s32 $0x9;
	_ =	strace $0x80000048  }
0xb6: {  	_ =	swait.ge [sflag:s29], $0x1  }
0xb7: {  	[sflag:s29] =	ssyncadd.s32 $0xFFFFFFFF  }
0xb8: {  	_ =	strace $0x90000048  }
0xb9: {  	_ =	sfence  }
0xba: {  	s30 =	sld [smem:$0x0];
	_ =	sdelay $0x2  }
0xbb: {  	s31 =	sshll.u32 s1, $0xD;
	s1 =	sshrl.u32 s1, $0x2  }
0xbc: {  	s3 =	sand.u32 $0x4000, s31;
	s1 =	sadd.s32 s1, s30  }
0xbd: {  	s0 =	sor.u32 s3, s0;
	s1 =	sshll.u32 s1, $0x11  }
0xbe: {  	s0 =	sor.u32 s1, s0  }
0xbf: {  	s0 =	sadd.s32 $0x8F2B, s0  }
0xc0: {  	[sflag:s0] =	ssyncadd.remote.s32 $0x1  }
0xc1: {  	_ =	sfence.sel $0xFFFF  }
0xc2: {  	[dreg:$0x0] =	wrdreg $0xFFFFFFFF;
	(pc) =	sbr.abs _section_cstart, $3  }
0xc3: {  	[dreg:$0x1] =	wrdreg $0xFFFFFFFF  }
0xc4: {  	_ =	task.clear_ibuf [dreg:s9], $0x2FFFF;
	_ =	strace $0x9FFFFFFF  }
0xc5: {  	(tm) =	ssettm $0x7FFFFFFF  }
tec
execute0_lowered:
.L_overlay_start_1:
0x0: {  	(tag) =	ssettag $0x1  }
0x1: {  	s0 =	rddreg [dreg:$0x0]  }
0x2: {  	s1 =	rddreg [dreg:$0x1]  }
0x3: {  	s3 =	rddreg [dreg:$0x2]  }
0x4: {  	s2 =	srdreg.scid;
	s25 =	simm.s32 $0x0;
	s7 =	stileid.u32  }
0x5: {  	s29 =	simm.s32 $0x200;
	s12 =	simm.s32 $0x4200;
	s21 =	simm.s32 $0x2  }
0x6: {  	s16 =	simm.s32 $0x6;
	s13 =	simm.s32 $0x4;
	s14 =	simm.s32 $0x7  }
0x7: {  	s15 =	simm.s32 $0x8;
	s10 =	simm.s32 $0x0;
	s2 =	sand.u32 $0x1, s2  }
0x8: {  	[smem:$0x7FF] =	sst s25;
	s5 =	sshll.u32 s7, $0x1;
	s22 =	sshrl.u32 s7, $0x2  }
0x9: {  	s9 =	sadd.s32 $0x200, s1;
	s11 =	sadd.s32 $0x300, s1;
	s4 =	ssub.s32 $0x2, s2  }
0xa: {  	_ =	strace $0x80000047;
	s5 =	sand.u32 $0x6, s5;
	s7 =	sshll.u32 s22, $0x4  }
0xb: {  	s6 =	sshrl.u32 s4, $0x1;
	s2 =	sor.u32 s2, s5;
	s5 =	sshll.u32 s22, $0x16  }
0xc: {  	s0 =	sadd.s32 s0, s7;
	s23 =	sshll.u32 s2, $0x13;
	s8 =	sshll.u32 s2, $0x8  }
0xd: {  	s4 =	ssub.s32 s4, s6;
	s24 =	sor.u32 s5, s23;
	s0 =	sadd.s32 s8, s0  }
0xe: {  	s31 =	smax.u32 s4, $0x1;
	[dreg:$0x4] =	wrdreg s0;
	s26 =	sshrl.u32 s24, $0x3  }
0xf: {  	s7 =	simm.s32 $0x1;
	[dreg:$0x9] =	wrdreg s31;
	s0 =	sadd.s32 s3, s26  }
0x10: {  	s22 =	simm.s32 $0xC200;
	s28 =	sadd.s32 $0x800, s0;
	[dreg:$0x5] =	wrdreg s0  }
0x11: {  	v2 =	vlaneseq.u32;
	s6 =	sshll.u32 s2, $0x9;
	s30 =	sadd.s32 $0xF000, s0;
	[dreg:$0x6] =	wrdreg s28  }
0x12: {  	vm0 =	vmmov $0xffff;
	v1 =	vshrl.u32 v2, $0x3;
	s2 =	simm.s32 $0x3;
	s0 =	sadd.s32 $0xF800, s0;
	[dreg:$0x7] =	wrdreg s30  }
0x13: {  	v0 =	vand.u32 $0x7, v2;
	v2 =	vor.u32 $0x8, v2;
	v1 =	vmul.u32 $0x8, v1;
	s8 =	sadd.s32 $0x100, s1;
	[dreg:$0x8] =	wrdreg s0;
	s0 =	simm.s32 $0x5  }
.LBB2_1:
0x14: {  	[dreg:$0xa] =	wrdreg s10  }
0x15: {  	s4 =	rddreg [dreg:$0x4];
	s23 =	simm.s32 $0x80;
	s24 =	simm.s32 $0x9  }
0x16: {  	[tilespmem:s25], [sflag:$0x9] =	stream.strided.gather [hbm4b:s4+s23], $0x200, s29, s23, $0x38;
	[tilespmem:$0x10200] =	vst v63  }
0x17: {  	_ =	swait.ge [sflag:s24], $0x200  }
0x18: {  	[sflag:s24] =	ssyncset.done $0x0  }
0x19: {  	[sflag:s24] =	ssyncadd.s32 $0xFFFFFE00  }
0x1a: {  	v3 =	vld [tilespmem:$0x0];
	_ =	sdelay $0x4  }
0x1b: {  	v4 =	vshll.u32 v3, $0x3  }
0x1c: {  	v3 =	vand.u32 $0x7, v3;
	v4 =	vand.u32 $0xFFFFFFC0, v4  }
0x1d: {  	v3 =	vor.u32 v3, v4  }
0x1e: {  	v4 =	vperm.xlane v3, v0;
	_ =	sdelay $0x1  }
0x1f: {  	v4 =	vadd.s32 v1, v4;
	_ =	sdelay $0x4  }
0x20: {  	[tilespmem:s29], [sflag:$0x1] =	stream.indirect_vreg.gather [hbm4b:s1+s25], $0x80, v4, vm0, $0xb8;
	[tilespmem:$0x10200] =	vst v63  }
0x21: {  	s26 =	simm.s32 $0xA00;
	v3 =	vperm.xlane v3, v2  }
0x22: {  	[tilespmem:s26], [sflag:$0x1] =	stream.indirect_vreg.gather [hbm4b:s8+s25], $0x80, v4, vm0, $0xb8;
	[tilespmem:$0x10200] =	vst v63  }
0x23: {  	s28 =	simm.s32 $0x1200;
	v3 =	vadd.s32 v1, v3  }
0x24: {  	[tilespmem:s28], [sflag:$0x1] =	stream.indirect_vreg.gather [hbm4b:s9+s25], $0x80, v4, vm0, $0xb8;
	[tilespmem:$0x10200] =	vst v63  }
0x25: {  	s30 =	simm.s32 $0x1A00  }
0x26: {  	[tilespmem:s30], [sflag:$0x1] =	stream.indirect_vreg.gather [hbm4b:s11+s25], $0x80, v4, vm0, $0xb8;
	[tilespmem:$0x10200] =	vst v63  }
0x27: {  	s31 =	simm.s32 $0x2200  }
0x28: {  	[tilespmem:s31], [sflag:$0x1] =	stream.indirect_vreg.gather [hbm4b:s1+s25], $0x80, v3, vm0, $0xb8;
	[tilespmem:$0x10200] =	vst v63  }
0x29: {  	s10 =	simm.s32 $0x2A00  }
0x2a: {  	[tilespmem:s10], [sflag:$0x1] =	stream.indirect_vreg.gather [hbm4b:s8+s25], $0x80, v3, vm0, $0xb8;
	[tilespmem:$0x10200] =	vst v63  }
0x2b: {  	s17 =	simm.s32 $0x3200  }
0x2c: {  	[tilespmem:s17], [sflag:$0x1] =	stream.indirect_vreg.gather [hbm4b:s9+s25], $0x80, v3, vm0, $0xb8;
	[tilespmem:$0x10200] =	vst v63  }
0x2d: {  	s18 =	simm.s32 $0x3A00  }
0x2e: {  	[tilespmem:s18], [sflag:$0x1] =	stream.indirect_vreg.gather [hbm4b:s11+s25], $0x80, v3, vm0, $0xb8;
	[tilespmem:$0x10200] =	vst v63  }
0x2f: {  	v3 =	vld [tilespmem:$0x10];
	_ =	sdelay $0x4  }
0x30: {  	v4 =	vshll.u32 v3, $0x3  }
0x31: {  	v3 =	vand.u32 $0x7, v3;
	v4 =	vand.u32 $0xFFFFFFC0, v4  }
0x32: {  	v3 =	vor.u32 v3, v4  }
0x33: {  	v4 =	vperm.xlane v3, v0;
	_ =	sdelay $0x1  }
0x34: {  	v4 =	vadd.s32 v1, v4;
	_ =	sdelay $0x4  }
0x35: {  	[tilespmem:s12], [sflag:$0x2] =	stream.indirect_vreg.gather [hbm4b:s1+s25], $0x80, v4, vm0, $0xb8;
	[tilespmem:$0x10200] =	vst v63  }
0x36: {  	s19 =	simm.s32 $0x4A00;
	v3 =	vperm.xlane v3, v2  }
0x37: {  	[tilespmem:s19], [sflag:$0x2] =	stream.indirect_vreg.gather [hbm4b:s8+s25], $0x80, v4, vm0, $0xb8;
	[tilespmem:$0x10200] =	vst v63  }
0x38: {  	s20 =	simm.s32 $0x5200;
	v3 =	vadd.s32 v1, v3  }
0x39: {  	[tilespmem:s20], [sflag:$0x2] =	stream.indirect_vreg.gather [hbm4b:s9+s25], $0x80, v4, vm0, $0xb8;
	[tilespmem:$0x10200] =	vst v63  }
0x3a: {  	s23 =	simm.s32 $0x5A00  }
0x3b: {  	[tilespmem:s23], [sflag:$0x2] =	stream.indirect_vreg.gather [hbm4b:s11+s25], $0x80, v4, vm0, $0xb8;
	[tilespmem:$0x10200] =	vst v63  }
0x3c: {  	s24 =	simm.s32 $0x6200  }
0x3d: {  	[tilespmem:s24], [sflag:$0x2] =	stream.indirect_vreg.gather [hbm4b:s1+s25], $0x80, v3, vm0, $0xb8;
	[tilespmem:$0x10200] =	vst v63  }
0x3e: {  	s26 =	simm.s32 $0x6A00  }
0x3f: {  	[tilespmem:s26], [sflag:$0x2] =	stream.indirect_vreg.gather [hbm4b:s8+s25], $0x80, v3, vm0, $0xb8;
	[tilespmem:$0x10200] =	vst v63  }
0x40: {  	s28 =	simm.s32 $0x7200  }
0x41: {  	[tilespmem:s28], [sflag:$0x2] =	stream.indirect_vreg.gather [hbm4b:s9+s25], $0x80, v3, vm0, $0xb8;
	[tilespmem:$0x10200] =	vst v63  }
0x42: {  	s30 =	simm.s32 $0x7A00  }
0x43: {  	[tilespmem:s30], [sflag:$0x2] =	stream.indirect_vreg.gather [hbm4b:s11+s25], $0x80, v3, vm0, $0xb8;
	[tilespmem:$0x10200] =	vst v63  }
0x44: {  	_ =	swait.ge [sflag:s7], $0x4000  }
0x45: {  	[sflag:s7] =	ssyncset.done $0x0  }
0x46: {  	[sflag:s7] =	ssyncadd.s32 $0xFFFFC000  }
0x47: {  	v3 =	vld [tilespmem:$0x20];
	_ =	sdelay $0x4  }
0x48: {  	v4 =	vshll.u32 v3, $0x3  }
0x49: {  	v3 =	vand.u32 $0x7, v3;
	v4 =	vand.u32 $0xFFFFFFC0, v4  }
0x4a: {  	v3 =	vor.u32 v3, v4  }
0x4b: {  	v4 =	vperm.xlane v3, v0;
	_ =	sdelay $0x1  }
0x4c: {  	v4 =	vadd.s32 v1, v4;
	_ =	sdelay $0x3  }
0x4d: {  	s31 =	simm.s32 $0x8200  }
0x4e: {  	[tilespmem:s31], [sflag:$0x3] =	stream.indirect_vreg.gather [hbm4b:s1+s25], $0x80, v4, vm0, $0xb8;
	[tilespmem:$0x10200] =	vst v63  }
0x4f: {  	s10 =	simm.s32 $0x8A00;
	v3 =	vperm.xlane v3, v2  }
0x50: {  	[tilespmem:s10], [sflag:$0x3] =	stream.indirect_vreg.gather [hbm4b:s8+s25], $0x80, v4, vm0, $0xb8;
	[tilespmem:$0x10200] =	vst v63  }
0x51: {  	s17 =	simm.s32 $0x9200;
	v3 =	vadd.s32 v1, v3  }
0x52: {  	[tilespmem:s17], [sflag:$0x3] =	stream.indirect_vreg.gather [hbm4b:s9+s25], $0x80, v4, vm0, $0xb8;
	[tilespmem:$0x10200] =	vst v63  }
0x53: {  	s18 =	simm.s32 $0x9A00  }
0x54: {  	[tilespmem:s18], [sflag:$0x3] =	stream.indirect_vreg.gather [hbm4b:s11+s25], $0x80, v4, vm0, $0xb8;
	[tilespmem:$0x10200] =	vst v63  }
0x55: {  	s19 =	simm.s32 $0xA200  }
0x56: {  	[tilespmem:s19], [sflag:$0x3] =	stream.indirect_vreg.gather [hbm4b:s1+s25], $0x80, v3, vm0, $0xb8;
	[tilespmem:$0x10200] =	vst v63  }
0x57: {  	s20 =	simm.s32 $0xAA00;
	s26 =	sand.u32 $0x2000, s25;
	s28 =	sand.u32 $0x1C00, s25  }
0x58: {  	[tilespmem:s20], [sflag:$0x3] =	stream.indirect_vreg.gather [hbm4b:s8+s25], $0x80, v3, vm0, $0xb8;
	[tilespmem:$0x10200] =	vst v63  }
0x59: {  	s23 =	simm.s32 $0xB200;
	s4 =	sor.u32 s28, s26;
	s18 =	sand.u32 $0x380, s25  }
0x5a: {  	[tilespmem:s23], [sflag:$0x3] =	stream.indirect_vreg.gather [hbm4b:s9+s25], $0x80, v3, vm0, $0xb8;
	[tilespmem:$0x10200] =	vst v63  }
0x5b: {  	s24 =	simm.s32 $0xBA00;
	s18 =	sor.u32 s4, s18  }
0x5c: {  	[tilespmem:s24], [sflag:$0x3] =	stream.indirect_vreg.gather [hbm4b:s11+s25], $0x80, v3, vm0, $0xb8;
	[tilespmem:$0x10200] =	vst v63  }
0x5d: {  	v3 =	vld [tilespmem:s18+$0x270]  }
0x5e: {  	v4 =	vld [tilespmem:s18+$0x200]  }
0x5f: {  	v5 =	vld [tilespmem:s18+$0x210]  }
0x60: {  	v9 =	vld [tilespmem:s18+$0x240]  }
0x61: {  	s30 =	simm.s32 $0x400;
	s31 =	simm.s32 $0x80;
	v6 =	vld [tilespmem:s18+$0x220]  }
0x62: {  	s10 =	sand.u32 $0x2000, s31;
	s4 =	sand.u32 $0x1C00, s30;
	s19 =	simm.s32 $0x10;
	v8 =	vld [tilespmem:s18+$0x230];
	v3 =	vmul.f32 $3.200000000e+01, v3  }
0x63: {  	s4 =	sor.u32 s4, s10;
	s19 =	sand.u32 $0x380, s19;
	v10 =	vld [tilespmem:s18+$0x250];
	v4 =	vmul.f32 $3.200000000e+01, v4  }
0x64: {  	s10 =	sor.u32 s4, s19;
	v12 =	vld [tilespmem:s18+$0x260];
	v11 =	vmul.f32 $3.200000000e+01, v5;
	[tilespmem:s18+$0x270] =	vst v3  }
0x65: {  	v7 =	vld [tilespmem:s10+$0x270];
	v9 =	vmul.f32 $3.200000000e+01, v9;
	[tilespmem:s18+$0x200] =	vst v4  }
0x66: {  	v5 =	vld [tilespmem:s10+$0x200];
	v3 =	vmul.f32 $3.200000000e+01, v6;
	[tilespmem:s18+$0x210] =	vst v11  }
0x67: {  	v4 =	vmul.f32 $3.200000000e+01, v8;
	v6 =	vld [tilespmem:s10+$0x210];
	[tilespmem:s18+$0x240] =	vst v9  }
0x68: {  	s19 =	simm.s32 $0x8;
	v8 =	vmul.f32 $3.200000000e+01, v10;
	[tilespmem:s18+$0x220] =	vst v3;
	v3 =	vld [tilespmem:s10+$0x220]  }
0x69: {  	s20 =	simm.s32 $0x20;
	s23 =	simm.s32 $0x800;
	s24 =	simm.s32 $0x100;
	v9 =	vmul.f32 $3.200000000e+01, v12;
	[tilespmem:s18+$0x230] =	vst v4;
	v4 =	vld [tilespmem:s10+$0x230]  }
.LBB2_2:
0x6a: {  	s4 =	sand.u32 $0x2000, s24;
	s25 =	sand.u32 $0x1C00, s23;
	s19 =	sadd.s32 $0x8, s19;
	v10 =	vld [tilespmem:s10+$0x240];
	v7 =	vmul.f32 $3.200000000e+01, v7;
	[tilespmem:s18+$0x250] =	vst v8  }
0x6b: {  	s28 =	sand.u32 $0x380, s20;
	s4 =	sor.u32 s25, s4;
	p0 =	slt.u32 s19, $0x3F8;
	v5 =	vmul.f32 $3.200000000e+01, v5;
	v8 =	vld [tilespmem:s10+$0x250];
	[tilespmem:s18+$0x260] =	vst v9  }
0x6c: {  	s18 =	smov.u32 s10;
	v6 =	vmul.f32 $3.200000000e+01, v6;
	v9 =	vld [tilespmem:s10+$0x260];
	[tilespmem:s10+$0x270] =	vst v7;
	s10 =	sor.u32 s4, s28  }
.Ltmp0:
0x6d: {  	v7 =	vld [tilespmem:s10+$0x270];
	[tilespmem:s18+$0x200] =	vst v5;
	v3 =	vmul.f32 $3.200000000e+01, v3;
	(pc) =	sbr.rel @p0 .LBB2_2-.Ltmp0, $4  }
0x6e: {  	v5 =	vld [tilespmem:s10+$0x200];
	[tilespmem:s18+$0x210] =	vst v6;
	v4 =	vmul.f32 $3.200000000e+01, v4  }
0x6f: {  	v6 =	vld [tilespmem:s10+$0x210];
	[tilespmem:s18+$0x220] =	vst v3;
	v10 =	vmul.f32 $3.200000000e+01, v10  }
0x70: {  	v3 =	vld [tilespmem:s10+$0x220];
	[tilespmem:s18+$0x230] =	vst v4;
	v8 =	vmul.f32 $3.200000000e+01, v8  }
0x71: {  	s20 =	sadd.s32 $0x10, s20;
	s23 =	sadd.s32 $0x400, s23;
	s24 =	sadd.s32 $0x80, s24;
	v4 =	vld [tilespmem:s10+$0x230];
	[tilespmem:s18+$0x240] =	vst v10;
	v9 =	vmul.f32 $3.200000000e+01, v9  }
0x72: {  	v10 =	vld [tilespmem:s10+$0x240];
	v7 =	vmul.f32 $3.200000000e+01, v7;
	[tilespmem:s18+$0x250] =	vst v8  }
0x73: {  	v8 =	vld [tilespmem:s10+$0x250];
	v5 =	vmul.f32 $3.200000000e+01, v5;
	[tilespmem:s18+$0x260] =	vst v9  }
0x74: {  	v9 =	vld [tilespmem:s10+$0x260];
	v6 =	vmul.f32 $3.200000000e+01, v6;
	[tilespmem:s10+$0x270] =	vst v7  }
0x75: {  	[tilespmem:s10+$0x200] =	vst v5;
	v3 =	vmul.f32 $3.200000000e+01, v3  }
0x76: {  	[tilespmem:s10+$0x210] =	vst v6;
	v4 =	vmul.f32 $3.200000000e+01, v4  }
0x77: {  	[tilespmem:s10+$0x220] =	vst v3;
	v3 =	vmul.f32 $3.200000000e+01, v10  }
0x78: {  	[tilespmem:s10+$0x230] =	vst v4;
	v4 =	vmul.f32 $3.200000000e+01, v8  }
0x79: {  	[tilespmem:s10+$0x240] =	vst v3;
	v3 =	vmul.f32 $3.200000000e+01, v9  }
0x7a: {  	[tilespmem:s10+$0x250] =	vst v4  }
0x7b: {  	[tilespmem:s10+$0x260] =	vst v3  }
0x7c: {  	s4 =	simm.s32 $0x0;
	s10 =	rddreg [dreg:$0x5]  }
0x7d: {  	[hbm4b:s10+s4] =	stream.linear.scatter [tilespmem:s29], [sflag:$0x5], $0x4000, $0x38;
	[tilespmem:$0x10200] =	vst v63  }
0x7e: {  	_ =	swait.ge [sflag:s21], $0x4000  }
0x7f: {  	[sflag:s21] =	ssyncset.done $0x0  }
0x80: {  	[sflag:s21] =	ssyncadd.s32 $0xFFFFC000  }
0x81: {  	v3 =	vld [tilespmem:$0x30];
	_ =	sdelay $0x4  }
0x82: {  	v4 =	vshll.u32 v3, $0x3  }
0x83: {  	v3 =	vand.u32 $0x7, v3;
	v4 =	vand.u32 $0xFFFFFFC0, v4  }
0x84: {  	v3 =	vor.u32 v3, v4  }
0x85: {  	v4 =	vperm.xlane v3, v0;
	_ =	sdelay $0x1  }
0x86: {  	v4 =	vadd.s32 v1, v4;
	_ =	sdelay $0x4  }
0x87: {  	[tilespmem:s22], [sflag:$0x4] =	stream.indirect_vreg.gather [hbm4b:s1+s4], $0x80, v4, vm0, $0xb8;
	[tilespmem:$0x10200] =	vst v63  }
0x88: {  	s17 =	simm.s32 $0xCA00;
	v3 =	vperm.xlane v3, v2  }
0x89: {  	[tilespmem:s17], [sflag:$0x4] =	stream.indirect_vreg.gather [hbm4b:s8+s4], $0x80, v4, vm0, $0xb8;
	[tilespmem:$0x10200] =	vst v63  }
0x8a: {  	s18 =	simm.s32 $0xD200;
	v3 =	vadd.s32 v1, v3  }
0x8b: {  	[tilespmem:s18], [sflag:$0x4] =	stream.indirect_vreg.gather [hbm4b:s9+s4], $0x80, v4, vm0, $0xb8;
	[tilespmem:$0x10200] =	vst v63  }
0x8c: {  	s19 =	simm.s32 $0xDA00  }
0x8d: {  	[tilespmem:s19], [sflag:$0x4] =	stream.indirect_vreg.gather [hbm4b:s11+s4], $0x80, v4, vm0, $0xb8;
	[tilespmem:$0x10200] =	vst v63  }
0x8e: {  	s20 =	simm.s32 $0xE200  }
0x8f: {  	[tilespmem:s20], [sflag:$0x4] =	stream.indirect_vreg.gather [hbm4b:s1+s4], $0x80, v3, vm0, $0xb8;
	[tilespmem:$0x10200] =	vst v63  }
0x90: {  	s23 =	simm.s32 $0xEA00  }
0x91: {  	[tilespmem:s23], [sflag:$0x4] =	stream.indirect_vreg.gather [hbm4b:s8+s4], $0x80, v3, vm0, $0xb8;
	[tilespmem:$0x10200] =	vst v63  }
0x92: {  	s24 =	simm.s32 $0xF200  }
0x93: {  	[tilespmem:s24], [sflag:$0x4] =	stream.indirect_vreg.gather [hbm4b:s9+s4], $0x80, v3, vm0, $0xb8;
	[tilespmem:$0x10200] =	vst v63  }
0x94: {  	s25 =	simm.s32 $0xFA00;
	s26 =	sand.u32 $0x2000, s4;
	s28 =	sand.u32 $0x1C00, s4  }
0x95: {  	[tilespmem:s25], [sflag:$0x4] =	stream.indirect_vreg.gather [hbm4b:s11+s4], $0x80, v3, vm0, $0xb8;
	[tilespmem:$0x10200] =	vst v63  }
0x96: {  	s10 =	sor.u32 s28, s26;
	s4 =	sand.u32 $0x380, s4  }
0x97: {  	s18 =	sor.u32 s10, s4  }
0x98: {  	v3 =	vld [tilespmem:s18+$0x4270]  }
0x99: {  	v4 =	vld [tilespmem:s18+$0x4200]  }
0x9a: {  	v5 =	vld [tilespmem:s18+$0x4210]  }
0x9b: {  	v9 =	vld [tilespmem:s18+$0x4240]  }
0x9c: {  	s30 =	simm.s32 $0x400;
	s31 =	simm.s32 $0x80;
	v6 =	vld [tilespmem:s18+$0x4220]  }
0x9d: {  	s19 =	simm.s32 $0x10;
	s10 =	sand.u32 $0x2000, s31;
	s4 =	sand.u32 $0x1C00, s30;
	v8 =	vld [tilespmem:s18+$0x4230];
	v3 =	vmul.f32 $3.200000000e+01, v3  }
0x9e: {  	s19 =	sand.u32 $0x380, s19;
	s4 =	sor.u32 s4, s10;
	v10 =	vld [tilespmem:s18+$0x4250];
	v4 =	vmul.f32 $3.200000000e+01, v4  }
0x9f: {  	v12 =	vld [tilespmem:s18+$0x4260];
	s10 =	sor.u32 s4, s19;
	v11 =	vmul.f32 $3.200000000e+01, v5;
	[tilespmem:s18+$0x4270] =	vst v3  }
0xa0: {  	v7 =	vld [tilespmem:s10+$0x4270];
	v9 =	vmul.f32 $3.200000000e+01, v9;
	[tilespmem:s18+$0x4200] =	vst v4  }
0xa1: {  	v5 =	vld [tilespmem:s10+$0x4200];
	v3 =	vmul.f32 $3.200000000e+01, v6;
	[tilespmem:s18+$0x4210] =	vst v11  }
0xa2: {  	v4 =	vmul.f32 $3.200000000e+01, v8;
	v6 =	vld [tilespmem:s10+$0x4210];
	[tilespmem:s18+$0x4240] =	vst v9  }
0xa3: {  	s20 =	simm.s32 $0x20;
	v8 =	vmul.f32 $3.200000000e+01, v10;
	[tilespmem:s18+$0x4220] =	vst v3;
	v3 =	vld [tilespmem:s10+$0x4220]  }
0xa4: {  	s23 =	simm.s32 $0x800;
	s24 =	simm.s32 $0x100;
	s19 =	simm.s32 $0x8;
	v9 =	vmul.f32 $3.200000000e+01, v12;
	[tilespmem:s18+$0x4230] =	vst v4;
	v4 =	vld [tilespmem:s10+$0x4230]  }
.LBB2_4:
0xa5: {  	s4 =	sand.u32 $0x2000, s24;
	s25 =	sand.u32 $0x1C00, s23;
	s19 =	sadd.s32 $0x8, s19;
	v10 =	vld [tilespmem:s10+$0x4240];
	v7 =	vmul.f32 $3.200000000e+01, v7;
	[tilespmem:s18+$0x4250] =	vst v8  }
0xa6: {  	s28 =	sand.u32 $0x380, s20;
	s4 =	sor.u32 s25, s4;
	p0 =	slt.u32 s19, $0x3F8;
	v5 =	vmul.f32 $3.200000000e+01, v5;
	v8 =	vld [tilespmem:s10+$0x4250];
	[tilespmem:s18+$0x4260] =	vst v9  }
0xa7: {  	s18 =	smov.u32 s10;
	v6 =	vmul.f32 $3.200000000e+01, v6;
	v9 =	vld [tilespmem:s10+$0x4260];
	[tilespmem:s10+$0x4270] =	vst v7;
	s10 =	sor.u32 s4, s28  }
.Ltmp1:
0xa8: {  	v7 =	vld [tilespmem:s10+$0x4270];
	[tilespmem:s18+$0x4200] =	vst v5;
	v3 =	vmul.f32 $3.200000000e+01, v3;
	(pc) =	sbr.rel @p0 .LBB2_4-.Ltmp1, $4  }
0xa9: {  	v5 =	vld [tilespmem:s10+$0x4200];
	[tilespmem:s18+$0x4210] =	vst v6;
	v4 =	vmul.f32 $3.200000000e+01, v4  }
0xaa: {  	v6 =	vld [tilespmem:s10+$0x4210];
	[tilespmem:s18+$0x4220] =	vst v3;
	v10 =	vmul.f32 $3.200000000e+01, v10  }
0xab: {  	v3 =	vld [tilespmem:s10+$0x4220];
	[tilespmem:s18+$0x4230] =	vst v4;
	v8 =	vmul.f32 $3.200000000e+01, v8  }
0xac: {  	s20 =	sadd.s32 $0x10, s20;
	s23 =	sadd.s32 $0x400, s23;
	s24 =	sadd.s32 $0x80, s24;
	v4 =	vld [tilespmem:s10+$0x4230];
	[tilespmem:s18+$0x4240] =	vst v10;
	v9 =	vmul.f32 $3.200000000e+01, v9  }
0xad: {  	v10 =	vld [tilespmem:s10+$0x4240];
	v7 =	vmul.f32 $3.200000000e+01, v7;
	[tilespmem:s18+$0x4250] =	vst v8  }
0xae: {  	v61 =	vld [tilespmem:s10+$0x4250];
	v5 =	vmul.f32 $3.200000000e+01, v5;
	[tilespmem:s18+$0x4260] =	vst v9  }
0xaf: {  	v62 =	vld [tilespmem:s10+$0x4260];
	v6 =	vmul.f32 $3.200000000e+01, v6;
	[tilespmem:s10+$0x4270] =	vst v7  }
0xb0: {  	[tilespmem:s10+$0x4200] =	vst v5;
	v3 =	vmul.f32 $3.200000000e+01, v3  }
0xb1: {  	[tilespmem:s10+$0x4210] =	vst v6;
	v4 =	vmul.f32 $3.200000000e+01, v4  }
0xb2: {  	[tilespmem:s10+$0x4220] =	vst v3;
	v3 =	vmul.f32 $3.200000000e+01, v10  }
0xb3: {  	v63 =	vmul.f32 $3.200000000e+01, v61;
	[tilespmem:s10+$0x4230] =	vst v4  }
0xb4: {  	[tilespmem:s10+$0x4240] =	vst v3;
	v3 =	vmul.f32 $3.200000000e+01, v62  }
0xb5: {  	[tilespmem:s10+$0x4250] =	vst v63  }
0xb6: {  	[tilespmem:s10+$0x4260] =	vst v3  }
0xb7: {  	s18 =	simm.s32 $0x0;
	s10 =	simm.s32 $0x0;
	s4 =	rddreg [dreg:$0x6]  }
0xb8: {  	[hbm4b:s4+s10] =	stream.linear.scatter [tilespmem:s12], [sflag:$0x6], $0x4000, $0x38;
	[tilespmem:$0x10200] =	vst v63  }
.LBB2_6:
0xb9: {  	_ =	swait.ge [sflag:s0], $0x4000  }
0xba: {  	[sflag:s0] =	ssyncset.done $0x0  }
0xbb: {  	s23 =	sshll.u32 s18, $0x6;
	[sflag:s0] =	ssyncadd.s32 $0xFFFFC000  }
0xbc: {  	v3 =	vld [tilespmem:s23+$0x40];
	_ =	sdelay $0x4  }
0xbd: {  	v4 =	vshll.u32 v3, $0x3  }
0xbe: {  	v3 =	vand.u32 $0x7, v3;
	v4 =	vand.u32 $0xFFFFFFC0, v4  }
0xbf: {  	v3 =	vor.u32 v3, v4  }
0xc0: {  	v4 =	vperm.xlane v3, v0;
	_ =	sdelay $0x1  }
0xc1: {  	v4 =	vadd.s32 v1, v4;
	_ =	sdelay $0x4  }
0xc2: {  	[tilespmem:s29], [sflag:$0x1] =	stream.indirect_vreg.gather [hbm4b:s1+s10], $0x80, v4, vm0, $0xb8;
	[tilespmem:$0x10200] =	vst v63  }
0xc3: {  	s4 =	simm.s32 $0xA00;
	v3 =	vperm.xlane v3, v2  }
0xc4: {  	[tilespmem:s4], [sflag:$0x1] =	stream.indirect_vreg.gather [hbm4b:s8+s10], $0x80, v4, vm0, $0xb8;
	[tilespmem:$0x10200] =	vst v63  }
0xc5: {  	s25 =	simm.s32 $0x1200;
	v3 =	vadd.s32 v1, v3  }
0xc6: {  	[tilespmem:s25], [sflag:$0x1] =	stream.indirect_vreg.gather [hbm4b:s9+s10], $0x80, v4, vm0, $0xb8;
	[tilespmem:$0x10200] =	vst v63  }
0xc7: {  	s26 =	simm.s32 $0x1A00  }
0xc8: {  	[tilespmem:s26], [sflag:$0x1] =	stream.indirect_vreg.gather [hbm4b:s11+s10], $0x80, v4, vm0, $0xb8;
	[tilespmem:$0x10200] =	vst v63  }
0xc9: {  	s31 =	simm.s32 $0x2200  }
0xca: {  	[tilespmem:s31], [sflag:$0x1] =	stream.indirect_vreg.gather [hbm4b:s1+s10], $0x80, v3, vm0, $0xb8;
	[tilespmem:$0x10200] =	vst v63  }
0xcb: {  	s17 =	simm.s32 $0x2A00  }
0xcc: {  	[tilespmem:s17], [sflag:$0x1] =	stream.indirect_vreg.gather [hbm4b:s8+s10], $0x80, v3, vm0, $0xb8;
	[tilespmem:$0x10200] =	vst v63  }
0xcd: {  	s19 =	simm.s32 $0x3200  }
0xce: {  	[tilespmem:s19], [sflag:$0x1] =	stream.indirect_vreg.gather [hbm4b:s9+s10], $0x80, v3, vm0, $0xb8;
	[tilespmem:$0x10200] =	vst v63  }
0xcf: {  	s20 =	simm.s32 $0x3A00  }
0xd0: {  	[tilespmem:s20], [sflag:$0x1] =	stream.indirect_vreg.gather [hbm4b:s11+s10], $0x80, v3, vm0, $0xb8;
	[tilespmem:$0x10200] =	vst v63  }
0xd1: {  	s24 =	sand.u32 $0x2000, s10;
	s19 =	sand.u32 $0x1C00, s10;
	_ =	swait.ge [sflag:s2], $0x4000  }
0xd2: {  	s4 =	sor.u32 s19, s24;
	s20 =	sand.u32 $0x380, s10;
	[sflag:s2] =	ssyncset.done $0x0  }
0xd3: {  	s24 =	sor.u32 s4, s20;
	[sflag:s2] =	ssyncadd.s32 $0xFFFFC000  }
0xd4: {  	v3 =	vld [tilespmem:s24+$0x8270]  }
0xd5: {  	v4 =	vld [tilespmem:s24+$0x8200]  }
0xd6: {  	v5 =	vld [tilespmem:s24+$0x8210]  }
0xd7: {  	v9 =	vld [tilespmem:s24+$0x8240]  }
0xd8: {  	s25 =	simm.s32 $0x400;
	s26 =	simm.s32 $0x80;
	v6 =	vld [tilespmem:s24+$0x8220]  }
0xd9: {  	s31 =	simm.s32 $0x10;
	s19 =	sand.u32 $0x2000, s26;
	s4 =	sand.u32 $0x1C00, s25;
	v8 =	vld [tilespmem:s24+$0x8230];
	v3 =	vmul.f32 $3.200000000e+01, v3  }
0xda: {  	s20 =	sand.u32 $0x380, s31;
	s4 =	sor.u32 s4, s19;
	v10 =	vld [tilespmem:s24+$0x8250];
	v4 =	vmul.f32 $3.200000000e+01, v4  }
0xdb: {  	s20 =	sor.u32 s4, s20;
	v12 =	vld [tilespmem:s24+$0x8260];
	v11 =	vmul.f32 $3.200000000e+01, v5;
	[tilespmem:s24+$0x8270] =	vst v3  }
0xdc: {  	v7 =	vld [tilespmem:s20+$0x8270];
	v9 =	vmul.f32 $3.200000000e+01, v9;
	[tilespmem:s24+$0x8200] =	vst v4  }
0xdd: {  	v5 =	vld [tilespmem:s20+$0x8200];
	v3 =	vmul.f32 $3.200000000e+01, v6;
	[tilespmem:s24+$0x8210] =	vst v11  }
0xde: {  	v4 =	vmul.f32 $3.200000000e+01, v8;
	v6 =	vld [tilespmem:s20+$0x8210];
	[tilespmem:s24+$0x8240] =	vst v9  }
0xdf: {  	s28 =	simm.s32 $0x20;
	s30 =	simm.s32 $0x100;
	v8 =	vmul.f32 $3.200000000e+01, v10;
	[tilespmem:s24+$0x8220] =	vst v3;
	v3 =	vld [tilespmem:s20+$0x8220]  }
0xe0: {  	s29 =	simm.s32 $0x800;
	s25 =	simm.s32 $0x8;
	s19 =	sadd.s32 $0x40, s23;
	v9 =	vmul.f32 $3.200000000e+01, v12;
	[tilespmem:s24+$0x8230] =	vst v4;
	v4 =	vld [tilespmem:s20+$0x8230]  }
.LBB2_7:
0xe1: {  	s4 =	sand.u32 $0x2000, s30;
	s31 =	sand.u32 $0x1C00, s29;
	s25 =	sadd.s32 $0x8, s25;
	v10 =	vld [tilespmem:s20+$0x8240];
	v7 =	vmul.f32 $3.200000000e+01, v7;
	[tilespmem:s24+$0x8250] =	vst v8  }
0xe2: {  	s26 =	sand.u32 $0x380, s28;
	s4 =	sor.u32 s31, s4;
	p0 =	slt.u32 s25, $0x3F8;
	v5 =	vmul.f32 $3.200000000e+01, v5;
	v8 =	vld [tilespmem:s20+$0x8250];
	[tilespmem:s24+$0x8260] =	vst v9  }
0xe3: {  	s24 =	smov.u32 s20;
	v6 =	vmul.f32 $3.200000000e+01, v6;
	v9 =	vld [tilespmem:s20+$0x8260];
	[tilespmem:s20+$0x8270] =	vst v7;
	s20 =	sor.u32 s4, s26  }
.Ltmp2:
0xe4: {  	v7 =	vld [tilespmem:s20+$0x8270];
	[tilespmem:s24+$0x8200] =	vst v5;
	v3 =	vmul.f32 $3.200000000e+01, v3;
	(pc) =	sbr.rel @p0 .LBB2_7-.Ltmp2, $4  }
0xe5: {  	v5 =	vld [tilespmem:s20+$0x8200];
	[tilespmem:s24+$0x8210] =	vst v6;
	v4 =	vmul.f32 $3.200000000e+01, v4  }
0xe6: {  	v6 =	vld [tilespmem:s20+$0x8210];
	[tilespmem:s24+$0x8220] =	vst v3;
	v10 =	vmul.f32 $3.200000000e+01, v10  }
0xe7: {  	v3 =	vld [tilespmem:s20+$0x8220];
	[tilespmem:s24+$0x8230] =	vst v4;
	v8 =	vmul.f32 $3.200000000e+01, v8  }
0xe8: {  	s28 =	sadd.s32 $0x10, s28;
	s29 =	sadd.s32 $0x400, s29;
	s30 =	sadd.s32 $0x80, s30;
	v4 =	vld [tilespmem:s20+$0x8230];
	[tilespmem:s24+$0x8240] =	vst v10;
	v9 =	vmul.f32 $3.200000000e+01, v9  }
0xe9: {  	v10 =	vld [tilespmem:s20+$0x8240];
	v7 =	vmul.f32 $3.200000000e+01, v7;
	[tilespmem:s24+$0x8250] =	vst v8  }
0xea: {  	v8 =	vld [tilespmem:s20+$0x8250];
	v5 =	vmul.f32 $3.200000000e+01, v5;
	[tilespmem:s24+$0x8260] =	vst v9  }
0xeb: {  	v9 =	vld [tilespmem:s20+$0x8260];
	v6 =	vmul.f32 $3.200000000e+01, v6;
	[tilespmem:s20+$0x8270] =	vst v7  }
0xec: {  	[tilespmem:s20+$0x8200] =	vst v5;
	v3 =	vmul.f32 $3.200000000e+01, v3  }
0xed: {  	s4 =	sadd.s32 s23, s6;
	[tilespmem:s20+$0x8210] =	vst v6;
	v4 =	vmul.f32 $3.200000000e+01, v4  }
0xee: {  	s4 =	sshll.u32 s4, $0xA;
	[tilespmem:s20+$0x8220] =	vst v3;
	v3 =	vmul.f32 $3.200000000e+01, v10  }
0xef: {  	s24 =	sadd.s32 s5, s4;
	[tilespmem:s20+$0x8230] =	vst v4;
	v4 =	vmul.f32 $3.200000000e+01, v8  }
0xf0: {  	s4 =	sadd.s32 $0x8000, s24;
	[tilespmem:s20+$0x8240] =	vst v3;
	v3 =	vmul.f32 $3.200000000e+01, v9  }
0xf1: {  	s4 =	sshrl.u32 s4, $0x3;
	[tilespmem:s20+$0x8250] =	vst v4  }
0xf2: {  	s17 =	simm.s32 $0x8200;
	s4 =	sadd.s32 s3, s4;
	[tilespmem:s20+$0x8260] =	vst v3;
	s20 =	simm.s32 $0x0  }
0xf3: {  	[hbm4b:s4+s20] =	stream.linear.scatter [tilespmem:s17], [sflag:$0x7], $0x4000, $0x38;
	[tilespmem:$0x10200] =	vst v63  }
0xf4: {  	_ =	swait.ge [sflag:s16], $0x4000  }
0xf5: {  	[sflag:s16] =	ssyncset.done $0x0  }
0xf6: {  	[sflag:s16] =	ssyncadd.s32 $0xFFFFC000  }
0xf7: {  	v3 =	vld [tilespmem:s23+$0x50];
	_ =	sdelay $0x4  }
0xf8: {  	v4 =	vshll.u32 v3, $0x3  }
0xf9: {  	v3 =	vand.u32 $0x7, v3;
	v4 =	vand.u32 $0xFFFFFFC0, v4  }
0xfa: {  	v3 =	vor.u32 v3, v4  }
0xfb: {  	v4 =	vperm.xlane v3, v0;
	_ =	sdelay $0x1  }
0xfc: {  	v4 =	vadd.s32 v1, v4;
	_ =	sdelay $0x4  }
0xfd: {  	[tilespmem:s12], [sflag:$0x2] =	stream.indirect_vreg.gather [hbm4b:s1+s20], $0x80, v4, vm0, $0xb8;
	[tilespmem:$0x10200] =	vst v63  }
0xfe: {  	s17 =	simm.s32 $0x4A00;
	v3 =	vperm.xlane v3, v2  }
0xff: {  	[tilespmem:s17], [sflag:$0x2] =	stream.indirect_vreg.gather [hbm4b:s8+s20], $0x80, v4, vm0, $0xb8;
	[tilespmem:$0x10200] =	vst v63  }
0x100: {  	s25 =	simm.s32 $0x5200;
	v3 =	vadd.s32 v1, v3  }
0x101: {  	[tilespmem:s25], [sflag:$0x2] =	stream.indirect_vreg.gather [hbm4b:s9+s20], $0x80, v4, vm0, $0xb8;
	[tilespmem:$0x10200] =	vst v63  }
0x102: {  	s26 =	simm.s32 $0x5A00  }
0x103: {  	[tilespmem:s26], [sflag:$0x2] =	stream.indirect_vreg.gather [hbm4b:s11+s20], $0x80, v4, vm0, $0xb8;
	[tilespmem:$0x10200] =	vst v63  }
0x104: {  	s12 =	simm.s32 $0x6200  }
0x105: {  	[tilespmem:s12], [sflag:$0x2] =	stream.indirect_vreg.gather [hbm4b:s1+s20], $0x80, v3, vm0, $0xb8;
	[tilespmem:$0x10200] =	vst v63  }
0x106: {  	s17 =	simm.s32 $0x6A00  }
0x107: {  	[tilespmem:s17], [sflag:$0x2] =	stream.indirect_vreg.gather [hbm4b:s8+s20], $0x80, v3, vm0, $0xb8;
	[tilespmem:$0x10200] =	vst v63  }
0x108: {  	s25 =	simm.s32 $0x7200  }
0x109: {  	[tilespmem:s25], [sflag:$0x2] =	stream.indirect_vreg.gather [hbm4b:s9+s20], $0x80, v3, vm0, $0xb8;
	[tilespmem:$0x10200] =	vst v63  }
0x10a: {  	s26 =	simm.s32 $0x7A00  }
0x10b: {  	[tilespmem:s26], [sflag:$0x2] =	stream.indirect_vreg.gather [hbm4b:s11+s20], $0x80, v3, vm0, $0xb8;
	[tilespmem:$0x10200] =	vst v63  }
0x10c: {  	s12 =	sand.u32 $0x2000, s20;
	s25 =	sand.u32 $0x1C00, s20;
	_ =	swait.ge [sflag:s13], $0x4000  }
0x10d: {  	s4 =	sor.u32 s25, s12;
	s20 =	sand.u32 $0x380, s20;
	[sflag:s13] =	ssyncset.done $0x0  }
0x10e: {  	s28 =	sor.u32 s4, s20;
	[sflag:s13] =	ssyncadd.s32 $0xFFFFC000  }
0x10f: {  	v3 =	vld [tilespmem:s28+$0xC270]  }
0x110: {  	v4 =	vld [tilespmem:s28+$0xC200]  }
0x111: {  	v5 =	vld [tilespmem:s28+$0xC210]  }
0x112: {  	v9 =	vld [tilespmem:s28+$0xC240]  }
0x113: {  	s17 =	simm.s32 $0x400;
	s25 =	simm.s32 $0x80;
	v6 =	vld [tilespmem:s28+$0xC220]  }
0x114: {  	s26 =	simm.s32 $0x10;
	s20 =	sand.u32 $0x2000, s25;
	s4 =	sand.u32 $0x1C00, s17;
	v8 =	vld [tilespmem:s28+$0xC230];
	v3 =	vmul.f32 $3.200000000e+01, v3  }
0x115: {  	s25 =	sand.u32 $0x380, s26;
	s4 =	sor.u32 s4, s20;
	v10 =	vld [tilespmem:s28+$0xC250];
	v4 =	vmul.f32 $3.200000000e+01, v4  }
0x116: {  	s25 =	sor.u32 s4, s25;
	v12 =	vld [tilespmem:s28+$0xC260];
	v11 =	vmul.f32 $3.200000000e+01, v5;
	[tilespmem:s28+$0xC270] =	vst v3  }
0x117: {  	v7 =	vld [tilespmem:s25+$0xC270];
	v9 =	vmul.f32 $3.200000000e+01, v9;
	[tilespmem:s28+$0xC200] =	vst v4  }
0x118: {  	v5 =	vld [tilespmem:s25+$0xC200];
	v3 =	vmul.f32 $3.200000000e+01, v6;
	[tilespmem:s28+$0xC210] =	vst v11  }
0x119: {  	v4 =	vmul.f32 $3.200000000e+01, v8;
	v6 =	vld [tilespmem:s25+$0xC210];
	[tilespmem:s28+$0xC240] =	vst v9  }
0x11a: {  	s29 =	simm.s32 $0x8;
	s30 =	simm.s32 $0x20;
	v8 =	vmul.f32 $3.200000000e+01, v10;
	[tilespmem:s28+$0xC220] =	vst v3;
	v3 =	vld [tilespmem:s25+$0xC220]  }
0x11b: {  	s31 =	simm.s32 $0x800;
	s20 =	sadd.s32 $0x50, s23;
	s4 =	simm.s32 $0x100;
	v9 =	vmul.f32 $3.200000000e+01, v12;
	[tilespmem:s28+$0xC230] =	vst v4;
	v4 =	vld [tilespmem:s25+$0xC230]  }
.LBB2_9:
0x11c: {  	s26 =	sand.u32 $0x2000, s4;
	s12 =	sand.u32 $0x1C00, s31;
	s29 =	sadd.s32 $0x8, s29;
	v10 =	vld [tilespmem:s25+$0xC240];
	v7 =	vmul.f32 $3.200000000e+01, v7;
	[tilespmem:s28+$0xC250] =	vst v8  }
0x11d: {  	s17 =	sand.u32 $0x380, s30;
	s12 =	sor.u32 s12, s26;
	p0 =	slt.u32 s29, $0x3F8;
	v5 =	vmul.f32 $3.200000000e+01, v5;
	v8 =	vld [tilespmem:s25+$0xC250];
	[tilespmem:s28+$0xC260] =	vst v9  }
0x11e: {  	s28 =	smov.u32 s25;
	v6 =	vmul.f32 $3.200000000e+01, v6;
	v9 =	vld [tilespmem:s25+$0xC260];
	[tilespmem:s25+$0xC270] =	vst v7;
	s25 =	sor.u32 s12, s17  }
.Ltmp3:
0x11f: {  	v7 =	vld [tilespmem:s25+$0xC270];
	[tilespmem:s28+$0xC200] =	vst v5;
	v3 =	vmul.f32 $3.200000000e+01, v3;
	(pc) =	sbr.rel @p0 .LBB2_9-.Ltmp3, $4  }
0x120: {  	v5 =	vld [tilespmem:s25+$0xC200];
	[tilespmem:s28+$0xC210] =	vst v6;
	v4 =	vmul.f32 $3.200000000e+01, v4  }
0x121: {  	v6 =	vld [tilespmem:s25+$0xC210];
	[tilespmem:s28+$0xC220] =	vst v3;
	v10 =	vmul.f32 $3.200000000e+01, v10  }
0x122: {  	v3 =	vld [tilespmem:s25+$0xC220];
	[tilespmem:s28+$0xC230] =	vst v4;
	v8 =	vmul.f32 $3.200000000e+01, v8  }
0x123: {  	s30 =	sadd.s32 $0x10, s30;
	s31 =	sadd.s32 $0x400, s31;
	s4 =	sadd.s32 $0x80, s4;
	v4 =	vld [tilespmem:s25+$0xC230];
	[tilespmem:s28+$0xC240] =	vst v10;
	v9 =	vmul.f32 $3.200000000e+01, v9  }
0x124: {  	v10 =	vld [tilespmem:s25+$0xC240];
	v7 =	vmul.f32 $3.200000000e+01, v7;
	[tilespmem:s28+$0xC250] =	vst v8  }
0x125: {  	v8 =	vld [tilespmem:s25+$0xC250];
	v5 =	vmul.f32 $3.200000000e+01, v5;
	[tilespmem:s28+$0xC260] =	vst v9  }
0x126: {  	v9 =	vld [tilespmem:s25+$0xC260];
	v6 =	vmul.f32 $3.200000000e+01, v6;
	[tilespmem:s25+$0xC270] =	vst v7  }
0x127: {  	[tilespmem:s25+$0xC200] =	vst v5;
	v3 =	vmul.f32 $3.200000000e+01, v3  }
0x128: {  	[tilespmem:s25+$0xC210] =	vst v6;
	v4 =	vmul.f32 $3.200000000e+01, v4  }
0x129: {  	[tilespmem:s25+$0xC220] =	vst v3;
	v3 =	vmul.f32 $3.200000000e+01, v10  }
0x12a: {  	[tilespmem:s25+$0xC230] =	vst v4;
	v4 =	vmul.f32 $3.200000000e+01, v8  }
0x12b: {  	s4 =	sadd.s32 $0xC000, s24;
	[tilespmem:s25+$0xC240] =	vst v3;
	v3 =	vmul.f32 $3.200000000e+01, v9  }
0x12c: {  	s4 =	sshrl.u32 s4, $0x3;
	[tilespmem:s25+$0xC250] =	vst v4  }
0x12d: {  	s12 =	simm.s32 $0x0;
	s4 =	sadd.s32 s3, s4;
	[tilespmem:s25+$0xC260] =	vst v3  }
0x12e: {  	[hbm4b:s4+s12] =	stream.linear.scatter [tilespmem:s22], [sflag:$0x8], $0x4000, $0x38;
	[tilespmem:$0x10200] =	vst v63  }
0x12f: {  	_ =	swait.ge [sflag:s14], $0x4000  }
0x130: {  	[sflag:s14] =	ssyncset.done $0x0  }
0x131: {  	s23 =	sand.u32 $0x3FFFFFC0, s23;
	[sflag:s14] =	ssyncadd.s32 $0xFFFFC000  }
0x132: {  	v3 =	vld [tilespmem:s23+$0x60];
	_ =	sdelay $0x4  }
0x133: {  	v4 =	vshll.u32 v3, $0x3  }
0x134: {  	v3 =	vand.u32 $0x7, v3;
	v4 =	vand.u32 $0xFFFFFFC0, v4  }
0x135: {  	v3 =	vor.u32 v3, v4  }
0x136: {  	v4 =	vperm.xlane v3, v0;
	_ =	sdelay $0x1  }
0x137: {  	v4 =	vadd.s32 v1, v4;
	_ =	sdelay $0x3  }
0x138: {  	s24 =	simm.s32 $0x8200  }
0x139: {  	[tilespmem:s24], [sflag:$0x3] =	stream.indirect_vreg.gather [hbm4b:s1+s12], $0x80, v4, vm0, $0xb8;
	[tilespmem:$0x10200] =	vst v63  }
0x13a: {  	s25 =	simm.s32 $0x8A00;
	v3 =	vperm.xlane v3, v2  }
0x13b: {  	[tilespmem:s25], [sflag:$0x3] =	stream.indirect_vreg.gather [hbm4b:s8+s12], $0x80, v4, vm0, $0xb8;
	[tilespmem:$0x10200] =	vst v63  }
0x13c: {  	s26 =	simm.s32 $0x9200;
	v3 =	vadd.s32 v1, v3  }
0x13d: {  	[tilespmem:s26], [sflag:$0x3] =	stream.indirect_vreg.gather [hbm4b:s9+s12], $0x80, v4, vm0, $0xb8;
	[tilespmem:$0x10200] =	vst v63  }
0x13e: {  	s31 =	simm.s32 $0x9A00  }
0x13f: {  	[tilespmem:s31], [sflag:$0x3] =	stream.indirect_vreg.gather [hbm4b:s11+s12], $0x80, v4, vm0, $0xb8;
	[tilespmem:$0x10200] =	vst v63  }
0x140: {  	s17 =	simm.s32 $0xA200  }
0x141: {  	[tilespmem:s17], [sflag:$0x3] =	stream.indirect_vreg.gather [hbm4b:s1+s12], $0x80, v3, vm0, $0xb8;
	[tilespmem:$0x10200] =	vst v63  }
0x142: {  	s24 =	simm.s32 $0xAA00  }
0x143: {  	[tilespmem:s24], [sflag:$0x3] =	stream.indirect_vreg.gather [hbm4b:s8+s12], $0x80, v3, vm0, $0xb8;
	[tilespmem:$0x10200] =	vst v63  }
0x144: {  	s25 =	simm.s32 $0xB200  }
0x145: {  	[tilespmem:s25], [sflag:$0x3] =	stream.indirect_vreg.gather [hbm4b:s9+s12], $0x80, v3, vm0, $0xb8;
	[tilespmem:$0x10200] =	vst v63  }
0x146: {  	s26 =	simm.s32 $0xBA00  }
0x147: {  	[tilespmem:s26], [sflag:$0x3] =	stream.indirect_vreg.gather [hbm4b:s11+s12], $0x80, v3, vm0, $0xb8;
	[tilespmem:$0x10200] =	vst v63  }
0x148: {  	s31 =	sand.u32 $0x2000, s12;
	s17 =	sand.u32 $0x1C00, s12;
	_ =	swait.ge [sflag:s7], $0x4000  }
0x149: {  	s4 =	sor.u32 s17, s31;
	s12 =	sand.u32 $0x380, s12;
	[sflag:s7] =	ssyncset.done $0x0  }
0x14a: {  	s25 =	sor.u32 s4, s12;
	[sflag:s7] =	ssyncadd.s32 $0xFFFFC000  }
0x14b: {  	v3 =	vld [tilespmem:s25+$0x270]  }
0x14c: {  	v4 =	vld [tilespmem:s25+$0x200]  }
0x14d: {  	v5 =	vld [tilespmem:s25+$0x210]  }
0x14e: {  	v9 =	vld [tilespmem:s25+$0x240]  }
0x14f: {  	s24 =	simm.s32 $0x400;
	s26 =	simm.s32 $0x80;
	v6 =	vld [tilespmem:s25+$0x220]  }
0x150: {  	s31 =	simm.s32 $0x10;
	s12 =	sand.u32 $0x2000, s26;
	s4 =	sand.u32 $0x1C00, s24;
	v8 =	vld [tilespmem:s25+$0x230];
	v3 =	vmul.f32 $3.200000000e+01, v3  }
0x151: {  	s17 =	sand.u32 $0x380, s31;
	s4 =	sor.u32 s4, s12;
	v10 =	vld [tilespmem:s25+$0x250];
	v4 =	vmul.f32 $3.200000000e+01, v4  }
0x152: {  	s24 =	sor.u32 s4, s17;
	v12 =	vld [tilespmem:s25+$0x260];
	v11 =	vmul.f32 $3.200000000e+01, v5;
	[tilespmem:s25+$0x270] =	vst v3  }
0x153: {  	v7 =	vld [tilespmem:s24+$0x270];
	v9 =	vmul.f32 $3.200000000e+01, v9;
	[tilespmem:s25+$0x200] =	vst v4  }
0x154: {  	v5 =	vld [tilespmem:s24+$0x200];
	v3 =	vmul.f32 $3.200000000e+01, v6;
	[tilespmem:s25+$0x210] =	vst v11  }
0x155: {  	v4 =	vmul.f32 $3.200000000e+01, v8;
	v6 =	vld [tilespmem:s24+$0x210];
	[tilespmem:s25+$0x240] =	vst v9  }
0x156: {  	s29 =	simm.s32 $0x20;
	v8 =	vmul.f32 $3.200000000e+01, v10;
	[tilespmem:s25+$0x220] =	vst v3;
	v3 =	vld [tilespmem:s24+$0x220]  }
0x157: {  	s30 =	simm.s32 $0x800;
	s28 =	simm.s32 $0x8;
	s4 =	simm.s32 $0x100;
	v9 =	vmul.f32 $3.200000000e+01, v12;
	[tilespmem:s25+$0x230] =	vst v4;
	v4 =	vld [tilespmem:s24+$0x230]  }
.LBB2_11:
0x158: {  	s12 =	sand.u32 $0x2000, s4;
	s17 =	sand.u32 $0x1C00, s30;
	s28 =	sadd.s32 $0x8, s28;
	v10 =	vld [tilespmem:s24+$0x240];
	v7 =	vmul.f32 $3.200000000e+01, v7;
	[tilespmem:s25+$0x250] =	vst v8  }
0x159: {  	s26 =	sand.u32 $0x380, s29;
	s12 =	sor.u32 s17, s12;
	p0 =	slt.u32 s28, $0x3F8;
	v5 =	vmul.f32 $3.200000000e+01, v5;
	v8 =	vld [tilespmem:s24+$0x250];
	[tilespmem:s25+$0x260] =	vst v9  }
0x15a: {  	s25 =	smov.u32 s24;
	v6 =	vmul.f32 $3.200000000e+01, v6;
	v9 =	vld [tilespmem:s24+$0x260];
	[tilespmem:s24+$0x270] =	vst v7;
	s24 =	sor.u32 s12, s26  }
.Ltmp4:
0x15b: {  	v7 =	vld [tilespmem:s24+$0x270];
	[tilespmem:s25+$0x200] =	vst v5;
	v3 =	vmul.f32 $3.200000000e+01, v3;
	(pc) =	sbr.rel @p0 .LBB2_11-.Ltmp4, $4  }
0x15c: {  	v5 =	vld [tilespmem:s24+$0x200];
	[tilespmem:s25+$0x210] =	vst v6;
	v4 =	vmul.f32 $3.200000000e+01, v4  }
0x15d: {  	v6 =	vld [tilespmem:s24+$0x210];
	[tilespmem:s25+$0x220] =	vst v3;
	v10 =	vmul.f32 $3.200000000e+01, v10  }
0x15e: {  	v3 =	vld [tilespmem:s24+$0x220];
	[tilespmem:s25+$0x230] =	vst v4;
	v8 =	vmul.f32 $3.200000000e+01, v8  }
0x15f: {  	s29 =	sadd.s32 $0x10, s29;
	s30 =	sadd.s32 $0x400, s30;
	s4 =	sadd.s32 $0x80, s4;
	v4 =	vld [tilespmem:s24+$0x230];
	[tilespmem:s25+$0x240] =	vst v10;
	v9 =	vmul.f32 $3.200000000e+01, v9  }
0x160: {  	v10 =	vld [tilespmem:s24+$0x240];
	v7 =	vmul.f32 $3.200000000e+01, v7;
	[tilespmem:s25+$0x250] =	vst v8  }
0x161: {  	v8 =	vld [tilespmem:s24+$0x250];
	v5 =	vmul.f32 $3.200000000e+01, v5;
	[tilespmem:s25+$0x260] =	vst v9  }
0x162: {  	v9 =	vld [tilespmem:s24+$0x260];
	v6 =	vmul.f32 $3.200000000e+01, v6;
	[tilespmem:s24+$0x270] =	vst v7  }
0x163: {  	[tilespmem:s24+$0x200] =	vst v5;
	v3 =	vmul.f32 $3.200000000e+01, v3  }
0x164: {  	[tilespmem:s24+$0x210] =	vst v6;
	v4 =	vmul.f32 $3.200000000e+01, v4  }
0x165: {  	s4 =	sadd.s32 s6, s19;
	[tilespmem:s24+$0x220] =	vst v3;
	v3 =	vmul.f32 $3.200000000e+01, v10  }
0x166: {  	s4 =	sshll.u32 s4, $0xA;
	[tilespmem:s24+$0x230] =	vst v4;
	v4 =	vmul.f32 $3.200000000e+01, v8  }
0x167: {  	s4 =	sadd.s32 s5, s4;
	[tilespmem:s24+$0x240] =	vst v3;
	v3 =	vmul.f32 $3.200000000e+01, v9  }
0x168: {  	s4 =	sshrl.u32 s4, $0x3;
	[tilespmem:s24+$0x250] =	vst v4  }
0x169: {  	s12 =	simm.s32 $0x0;
	s29 =	simm.s32 $0x200;
	s4 =	sadd.s32 s3, s4;
	[tilespmem:s24+$0x260] =	vst v3  }
0x16a: {  	[hbm4b:s4+s12] =	stream.linear.scatter [tilespmem:s29], [sflag:$0x5], $0x4000, $0x38;
	[tilespmem:$0x10200] =	vst v63  }
0x16b: {  	_ =	swait.ge [sflag:s15], $0x4000  }
0x16c: {  	[sflag:s15] =	ssyncset.done $0x0  }
0x16d: {  	[sflag:s15] =	ssyncadd.s32 $0xFFFFC000  }
0x16e: {  	v3 =	vld [tilespmem:s23+$0x70];
	_ =	sdelay $0x4  }
0x16f: {  	v4 =	vshll.u32 v3, $0x3  }
0x170: {  	v3 =	vand.u32 $0x7, v3;
	v4 =	vand.u32 $0xFFFFFFC0, v4  }
0x171: {  	v3 =	vor.u32 v3, v4  }
0x172: {  	v4 =	vperm.xlane v3, v0;
	_ =	sdelay $0x1  }
0x173: {  	v4 =	vadd.s32 v1, v4;
	_ =	sdelay $0x4  }
0x174: {  	[tilespmem:s22], [sflag:$0x4] =	stream.indirect_vreg.gather [hbm4b:s1+s12], $0x80, v4, vm0, $0xb8;
	[tilespmem:$0x10200] =	vst v63  }
0x175: {  	s26 =	simm.s32 $0xCA00;
	v3 =	vperm.xlane v3, v2  }
0x176: {  	[tilespmem:s26], [sflag:$0x4] =	stream.indirect_vreg.gather [hbm4b:s8+s12], $0x80, v4, vm0, $0xb8;
	[tilespmem:$0x10200] =	vst v63  }
0x177: {  	s30 =	simm.s32 $0xD200;
	v3 =	vadd.s32 v1, v3  }
0x178: {  	[tilespmem:s30], [sflag:$0x4] =	stream.indirect_vreg.gather [hbm4b:s9+s12], $0x80, v4, vm0, $0xb8;
	[tilespmem:$0x10200] =	vst v63  }
0x179: {  	s31 =	simm.s32 $0xDA00  }
0x17a: {  	[tilespmem:s31], [sflag:$0x4] =	stream.indirect_vreg.gather [hbm4b:s11+s12], $0x80, v4, vm0, $0xb8;
	[tilespmem:$0x10200] =	vst v63  }
0x17b: {  	s17 =	simm.s32 $0xE200  }
0x17c: {  	[tilespmem:s17], [sflag:$0x4] =	stream.indirect_vreg.gather [hbm4b:s1+s12], $0x80, v3, vm0, $0xb8;
	[tilespmem:$0x10200] =	vst v63  }
0x17d: {  	s19 =	simm.s32 $0xEA00  }
0x17e: {  	[tilespmem:s19], [sflag:$0x4] =	stream.indirect_vreg.gather [hbm4b:s8+s12], $0x80, v3, vm0, $0xb8;
	[tilespmem:$0x10200] =	vst v63  }
0x17f: {  	s23 =	simm.s32 $0xF200  }
0x180: {  	[tilespmem:s23], [sflag:$0x4] =	stream.indirect_vreg.gather [hbm4b:s9+s12], $0x80, v3, vm0, $0xb8;
	[tilespmem:$0x10200] =	vst v63  }
0x181: {  	s24 =	simm.s32 $0xFA00  }
0x182: {  	[tilespmem:s24], [sflag:$0x4] =	stream.indirect_vreg.gather [hbm4b:s11+s12], $0x80, v3, vm0, $0xb8;
	[tilespmem:$0x10200] =	vst v63  }
0x183: {  	s25 =	sand.u32 $0x2000, s12;
	s17 =	sand.u32 $0x1C00, s12;
	_ =	swait.ge [sflag:s21], $0x4000  }
0x184: {  	s4 =	sor.u32 s17, s25;
	s12 =	sand.u32 $0x380, s12;
	[sflag:s21] =	ssyncset.done $0x0  }
0x185: {  	s23 =	sor.u32 s4, s12;
	[sflag:s21] =	ssyncadd.s32 $0xFFFFC000  }
0x186: {  	v3 =	vld [tilespmem:s23+$0x4270]  }
0x187: {  	v4 =	vld [tilespmem:s23+$0x4200]  }
0x188: {  	v5 =	vld [tilespmem:s23+$0x4210]  }
0x189: {  	v9 =	vld [tilespmem:s23+$0x4240]  }
0x18a: {  	s26 =	simm.s32 $0x400;
	s30 =	simm.s32 $0x80;
	v6 =	vld [tilespmem:s23+$0x4220]  }
0x18b: {  	s31 =	simm.s32 $0x10;
	s12 =	sand.u32 $0x2000, s30;
	s4 =	sand.u32 $0x1C00, s26;
	v8 =	vld [tilespmem:s23+$0x4230];
	v3 =	vmul.f32 $3.200000000e+01, v3  }
0x18c: {  	s17 =	sand.u32 $0x380, s31;
	s4 =	sor.u32 s4, s12;
	v10 =	vld [tilespmem:s23+$0x4250];
	v4 =	vmul.f32 $3.200000000e+01, v4  }
0x18d: {  	s19 =	sor.u32 s4, s17;
	v12 =	vld [tilespmem:s23+$0x4260];
	v11 =	vmul.f32 $3.200000000e+01, v5;
	[tilespmem:s23+$0x4270] =	vst v3  }
0x18e: {  	v7 =	vld [tilespmem:s19+$0x4270];
	v9 =	vmul.f32 $3.200000000e+01, v9;
	[tilespmem:s23+$0x4200] =	vst v4  }
0x18f: {  	v5 =	vld [tilespmem:s19+$0x4200];
	v3 =	vmul.f32 $3.200000000e+01, v6;
	[tilespmem:s23+$0x4210] =	vst v11  }
0x190: {  	v4 =	vmul.f32 $3.200000000e+01, v8;
	v6 =	vld [tilespmem:s19+$0x4210];
	[tilespmem:s23+$0x4240] =	vst v9  }
0x191: {  	s28 =	simm.s32 $0x800;
	v8 =	vmul.f32 $3.200000000e+01, v10;
	[tilespmem:s23+$0x4220] =	vst v3;
	v3 =	vld [tilespmem:s19+$0x4220]  }
0x192: {  	s25 =	simm.s32 $0x20;
	s24 =	simm.s32 $0x8;
	s4 =	simm.s32 $0x100;
	v9 =	vmul.f32 $3.200000000e+01, v12;
	[tilespmem:s23+$0x4230] =	vst v4;
	v4 =	vld [tilespmem:s19+$0x4230]  }
.LBB2_13:
0x193: {  	s12 =	sand.u32 $0x2000, s4;
	s17 =	sand.u32 $0x1C00, s28;
	s24 =	sadd.s32 $0x8, s24;
	v10 =	vld [tilespmem:s19+$0x4240];
	v7 =	vmul.f32 $3.200000000e+01, v7;
	[tilespmem:s23+$0x4250] =	vst v8  }
0x194: {  	s26 =	sand.u32 $0x380, s25;
	s12 =	sor.u32 s17, s12;
	p0 =	slt.u32 s24, $0x3F8;
	v5 =	vmul.f32 $3.200000000e+01, v5;
	v8 =	vld [tilespmem:s19+$0x4250];
	[tilespmem:s23+$0x4260] =	vst v9  }
0x195: {  	s23 =	smov.u32 s19;
	v6 =	vmul.f32 $3.200000000e+01, v6;
	v9 =	vld [tilespmem:s19+$0x4260];
	[tilespmem:s19+$0x4270] =	vst v7;
	s19 =	sor.u32 s12, s26  }
.Ltmp5:
0x196: {  	v7 =	vld [tilespmem:s19+$0x4270];
	[tilespmem:s23+$0x4200] =	vst v5;
	v3 =	vmul.f32 $3.200000000e+01, v3;
	(pc) =	sbr.rel @p0 .LBB2_13-.Ltmp5, $4  }
0x197: {  	v5 =	vld [tilespmem:s19+$0x4200];
	[tilespmem:s23+$0x4210] =	vst v6;
	v4 =	vmul.f32 $3.200000000e+01, v4  }
0x198: {  	v6 =	vld [tilespmem:s19+$0x4210];
	[tilespmem:s23+$0x4220] =	vst v3;
	v10 =	vmul.f32 $3.200000000e+01, v10  }
0x199: {  	v3 =	vld [tilespmem:s19+$0x4220];
	[tilespmem:s23+$0x4230] =	vst v4;
	v8 =	vmul.f32 $3.200000000e+01, v8  }
0x19a: {  	s25 =	sadd.s32 $0x10, s25;
	s28 =	sadd.s32 $0x400, s28;
	s4 =	sadd.s32 $0x80, s4;
	v4 =	vld [tilespmem:s19+$0x4230];
	[tilespmem:s23+$0x4240] =	vst v10;
	v9 =	vmul.f32 $3.200000000e+01, v9  }
0x19b: {  	v10 =	vld [tilespmem:s19+$0x4240];
	v7 =	vmul.f32 $3.200000000e+01, v7;
	[tilespmem:s23+$0x4250] =	vst v8  }
0x19c: {  	v61 =	vld [tilespmem:s19+$0x4250];
	v5 =	vmul.f32 $3.200000000e+01, v5;
	[tilespmem:s23+$0x4260] =	vst v9  }
0x19d: {  	v62 =	vld [tilespmem:s19+$0x4260];
	v6 =	vmul.f32 $3.200000000e+01, v6;
	[tilespmem:s19+$0x4270] =	vst v7  }
0x19e: {  	[tilespmem:s19+$0x4200] =	vst v5;
	v3 =	vmul.f32 $3.200000000e+01, v3  }
0x19f: {  	s18 =	sadd.s32 $0x1, s18;
	[tilespmem:s19+$0x4210] =	vst v6;
	v4 =	vmul.f32 $3.200000000e+01, v4  }
0x1a0: {  	s4 =	sadd.s32 s6, s20;
	p0 =	sne.s32 s18, $0x7;
	[tilespmem:s19+$0x4220] =	vst v3;
	v3 =	vmul.f32 $3.200000000e+01, v10  }
.Ltmp6:
0x1a1: {  	s4 =	sshll.u32 s4, $0xA;
	v63 =	vmul.f32 $3.200000000e+01, v61;
	[tilespmem:s19+$0x4230] =	vst v4;
	(pc) =	sbr.rel @p0 .LBB2_6-.Ltmp6, $4  }
0x1a2: {  	s4 =	sadd.s32 s5, s4;
	[tilespmem:s19+$0x4240] =	vst v3;
	v3 =	vmul.f32 $3.200000000e+01, v62  }
0x1a3: {  	s4 =	sshrl.u32 s4, $0x3;
	[tilespmem:s19+$0x4250] =	vst v63  }
0x1a4: {  	s25 =	simm.s32 $0x0;
	s12 =	simm.s32 $0x4200;
	s4 =	sadd.s32 s3, s4;
	[tilespmem:s19+$0x4260] =	vst v3  }
0x1a5: {  	[hbm4b:s4+s25] =	stream.linear.scatter [tilespmem:s12], [sflag:$0x6], $0x4000, $0x38;
	[tilespmem:$0x10200] =	vst v63  }
0x1a6: {  	s4 =	simm.s32 $0x0  }
0x1a7: {  	_ =	swait.ge [sflag:s2], $0x4000;
	s10 =	sand.u32 $0x2000, s4;
	s12 =	sand.u32 $0x1C00, s4  }
0x1a8: {  	[sflag:s2] =	ssyncset.done $0x0;
	s4 =	sand.u32 $0x380, s4;
	s10 =	sor.u32 s12, s10  }
0x1a9: {  	[sflag:s2] =	ssyncadd.s32 $0xFFFFC000;
	s18 =	sor.u32 s10, s4  }
0x1aa: {  	v3 =	vld [tilespmem:s18+$0x8270]  }
0x1ab: {  	v4 =	vld [tilespmem:s18+$0x8200]  }
0x1ac: {  	v5 =	vld [tilespmem:s18+$0x8210]  }
0x1ad: {  	v9 =	vld [tilespmem:s18+$0x8240]  }
0x1ae: {  	s28 =	simm.s32 $0x400;
	s30 =	simm.s32 $0x80;
	v6 =	vld [tilespmem:s18+$0x8220]  }
0x1af: {  	s31 =	simm.s32 $0x10;
	s10 =	sand.u32 $0x2000, s30;
	s4 =	sand.u32 $0x1C00, s28;
	v8 =	vld [tilespmem:s18+$0x8230];
	v3 =	vmul.f32 $3.200000000e+01, v3  }
0x1b0: {  	s12 =	sand.u32 $0x380, s31;
	s4 =	sor.u32 s4, s10;
	v10 =	vld [tilespmem:s18+$0x8250];
	v4 =	vmul.f32 $3.200000000e+01, v4  }
0x1b1: {  	v12 =	vld [tilespmem:s18+$0x8260];
	s10 =	sor.u32 s4, s12;
	v11 =	vmul.f32 $3.200000000e+01, v5;
	[tilespmem:s18+$0x8270] =	vst v3  }
0x1b2: {  	v7 =	vld [tilespmem:s10+$0x8270];
	v9 =	vmul.f32 $3.200000000e+01, v9;
	[tilespmem:s18+$0x8200] =	vst v4  }
0x1b3: {  	v5 =	vld [tilespmem:s10+$0x8200];
	v3 =	vmul.f32 $3.200000000e+01, v6;
	[tilespmem:s18+$0x8210] =	vst v11  }
0x1b4: {  	v4 =	vmul.f32 $3.200000000e+01, v8;
	v6 =	vld [tilespmem:s10+$0x8210];
	[tilespmem:s18+$0x8240] =	vst v9  }
0x1b5: {  	s19 =	simm.s32 $0x8;
	v8 =	vmul.f32 $3.200000000e+01, v10;
	[tilespmem:s18+$0x8220] =	vst v3;
	v3 =	vld [tilespmem:s10+$0x8220]  }
0x1b6: {  	s20 =	simm.s32 $0x20;
	s23 =	simm.s32 $0x800;
	s4 =	simm.s32 $0x100;
	v9 =	vmul.f32 $3.200000000e+01, v12;
	[tilespmem:s18+$0x8230] =	vst v4;
	v4 =	vld [tilespmem:s10+$0x8230]  }
.LBB2_16:
0x1b7: {  	s12 =	sand.u32 $0x2000, s4;
	s17 =	sand.u32 $0x1C00, s23;
	s19 =	sadd.s32 $0x8, s19;
	v10 =	vld [tilespmem:s10+$0x8240];
	v7 =	vmul.f32 $3.200000000e+01, v7;
	[tilespmem:s18+$0x8250] =	vst v8  }
0x1b8: {  	s24 =	sand.u32 $0x380, s20;
	s12 =	sor.u32 s17, s12;
	p0 =	slt.u32 s19, $0x3F8;
	v5 =	vmul.f32 $3.200000000e+01, v5;
	v8 =	vld [tilespmem:s10+$0x8250];
	[tilespmem:s18+$0x8260] =	vst v9  }
0x1b9: {  	s18 =	smov.u32 s10;
	v6 =	vmul.f32 $3.200000000e+01, v6;
	v9 =	vld [tilespmem:s10+$0x8260];
	[tilespmem:s10+$0x8270] =	vst v7;
	s10 =	sor.u32 s12, s24  }
.Ltmp7:
0x1ba: {  	v7 =	vld [tilespmem:s10+$0x8270];
	[tilespmem:s18+$0x8200] =	vst v5;
	v3 =	vmul.f32 $3.200000000e+01, v3;
	(pc) =	sbr.rel @p0 .LBB2_16-.Ltmp7, $4  }
0x1bb: {  	v5 =	vld [tilespmem:s10+$0x8200];
	[tilespmem:s18+$0x8210] =	vst v6;
	v4 =	vmul.f32 $3.200000000e+01, v4  }
0x1bc: {  	v6 =	vld [tilespmem:s10+$0x8210];
	[tilespmem:s18+$0x8220] =	vst v3;
	v10 =	vmul.f32 $3.200000000e+01, v10  }
0x1bd: {  	v3 =	vld [tilespmem:s10+$0x8220];
	[tilespmem:s18+$0x8230] =	vst v4;
	v8 =	vmul.f32 $3.200000000e+01, v8  }
0x1be: {  	s20 =	sadd.s32 $0x10, s20;
	s23 =	sadd.s32 $0x400, s23;
	s4 =	sadd.s32 $0x80, s4;
	v4 =	vld [tilespmem:s10+$0x8230];
	[tilespmem:s18+$0x8240] =	vst v10;
	v9 =	vmul.f32 $3.200000000e+01, v9  }
0x1bf: {  	v10 =	vld [tilespmem:s10+$0x8240];
	v7 =	vmul.f32 $3.200000000e+01, v7;
	[tilespmem:s18+$0x8250] =	vst v8  }
0x1c0: {  	v8 =	vld [tilespmem:s10+$0x8250];
	v5 =	vmul.f32 $3.200000000e+01, v5;
	[tilespmem:s18+$0x8260] =	vst v9  }
0x1c1: {  	v9 =	vld [tilespmem:s10+$0x8260];
	v6 =	vmul.f32 $3.200000000e+01, v6;
	[tilespmem:s10+$0x8270] =	vst v7  }
0x1c2: {  	[tilespmem:s10+$0x8200] =	vst v5;
	v3 =	vmul.f32 $3.200000000e+01, v3  }
0x1c3: {  	[tilespmem:s10+$0x8210] =	vst v6;
	v4 =	vmul.f32 $3.200000000e+01, v4  }
0x1c4: {  	[tilespmem:s10+$0x8220] =	vst v3;
	v3 =	vmul.f32 $3.200000000e+01, v10  }
0x1c5: {  	[tilespmem:s10+$0x8230] =	vst v4;
	v4 =	vmul.f32 $3.200000000e+01, v8  }
0x1c6: {  	[tilespmem:s10+$0x8240] =	vst v3;
	v3 =	vmul.f32 $3.200000000e+01, v9  }
0x1c7: {  	[tilespmem:s10+$0x8250] =	vst v4  }
0x1c8: {  	[tilespmem:s10+$0x8260] =	vst v3  }
0x1c9: {  	s4 =	simm.s32 $0x0;
	s12 =	simm.s32 $0x8200;
	s10 =	rddreg [dreg:$0x7]  }
0x1ca: {  	[hbm4b:s10+s4] =	stream.linear.scatter [tilespmem:s12], [sflag:$0x7], $0x4000, $0x38;
	[tilespmem:$0x10200] =	vst v63  }
0x1cb: {  	s24 =	sand.u32 $0x2000, s4;
	s26 =	sand.u32 $0x1C00, s4;
	_ =	swait.ge [sflag:s13], $0x4000  }
0x1cc: {  	s4 =	sand.u32 $0x380, s4;
	s10 =	sor.u32 s26, s24;
	[sflag:s13] =	ssyncset.done $0x0  }
0x1cd: {  	s18 =	sor.u32 s10, s4;
	[sflag:s13] =	ssyncadd.s32 $0xFFFFC000  }
0x1ce: {  	v3 =	vld [tilespmem:s18+$0xC270]  }
0x1cf: {  	v4 =	vld [tilespmem:s18+$0xC200]  }
0x1d0: {  	v5 =	vld [tilespmem:s18+$0xC210]  }
0x1d1: {  	v9 =	vld [tilespmem:s18+$0xC240]  }
0x1d2: {  	s28 =	simm.s32 $0x400;
	s30 =	simm.s32 $0x80;
	v6 =	vld [tilespmem:s18+$0xC220]  }
0x1d3: {  	s31 =	simm.s32 $0x10;
	s10 =	sand.u32 $0x2000, s30;
	s4 =	sand.u32 $0x1C00, s28;
	v8 =	vld [tilespmem:s18+$0xC230];
	v3 =	vmul.f32 $3.200000000e+01, v3  }
0x1d4: {  	s12 =	sand.u32 $0x380, s31;
	s4 =	sor.u32 s4, s10;
	v10 =	vld [tilespmem:s18+$0xC250];
	v4 =	vmul.f32 $3.200000000e+01, v4  }
0x1d5: {  	s10 =	sor.u32 s4, s12;
	v12 =	vld [tilespmem:s18+$0xC260];
	v11 =	vmul.f32 $3.200000000e+01, v5;
	[tilespmem:s18+$0xC270] =	vst v3  }
0x1d6: {  	v7 =	vld [tilespmem:s10+$0xC270];
	v9 =	vmul.f32 $3.200000000e+01, v9;
	[tilespmem:s18+$0xC200] =	vst v4  }
0x1d7: {  	v5 =	vld [tilespmem:s10+$0xC200];
	v3 =	vmul.f32 $3.200000000e+01, v6;
	[tilespmem:s18+$0xC210] =	vst v11  }
0x1d8: {  	v4 =	vmul.f32 $3.200000000e+01, v8;
	v6 =	vld [tilespmem:s10+$0xC210];
	[tilespmem:s18+$0xC240] =	vst v9  }
0x1d9: {  	s19 =	simm.s32 $0x8;
	v8 =	vmul.f32 $3.200000000e+01, v10;
	[tilespmem:s18+$0xC220] =	vst v3;
	v3 =	vld [tilespmem:s10+$0xC220]  }
0x1da: {  	s20 =	simm.s32 $0x20;
	s23 =	simm.s32 $0x800;
	s4 =	simm.s32 $0x100;
	v9 =	vmul.f32 $3.200000000e+01, v12;
	[tilespmem:s18+$0xC230] =	vst v4;
	v4 =	vld [tilespmem:s10+$0xC230]  }
.LBB2_18:
0x1db: {  	s12 =	sand.u32 $0x2000, s4;
	s17 =	sand.u32 $0x1C00, s23;
	s19 =	sadd.s32 $0x8, s19;
	v10 =	vld [tilespmem:s10+$0xC240];
	v7 =	vmul.f32 $3.200000000e+01, v7;
	[tilespmem:s18+$0xC250] =	vst v8  }
0x1dc: {  	s24 =	sand.u32 $0x380, s20;
	s12 =	sor.u32 s17, s12;
	p0 =	slt.u32 s19, $0x3F8;
	v5 =	vmul.f32 $3.200000000e+01, v5;
	v8 =	vld [tilespmem:s10+$0xC250];
	[tilespmem:s18+$0xC260] =	vst v9  }
0x1dd: {  	s18 =	smov.u32 s10;
	v6 =	vmul.f32 $3.200000000e+01, v6;
	v9 =	vld [tilespmem:s10+$0xC260];
	[tilespmem:s10+$0xC270] =	vst v7;
	s10 =	sor.u32 s12, s24  }
.Ltmp8:
0x1de: {  	v7 =	vld [tilespmem:s10+$0xC270];
	[tilespmem:s18+$0xC200] =	vst v5;
	v3 =	vmul.f32 $3.200000000e+01, v3;
	(pc) =	sbr.rel @p0 .LBB2_18-.Ltmp8, $4  }
0x1df: {  	v5 =	vld [tilespmem:s10+$0xC200];
	[tilespmem:s18+$0xC210] =	vst v6;
	v4 =	vmul.f32 $3.200000000e+01, v4  }
0x1e0: {  	v6 =	vld [tilespmem:s10+$0xC210];
	[tilespmem:s18+$0xC220] =	vst v3;
	v10 =	vmul.f32 $3.200000000e+01, v10  }
0x1e1: {  	v3 =	vld [tilespmem:s10+$0xC220];
	[tilespmem:s18+$0xC230] =	vst v4;
	v8 =	vmul.f32 $3.200000000e+01, v8  }
0x1e2: {  	s20 =	sadd.s32 $0x10, s20;
	s23 =	sadd.s32 $0x400, s23;
	s4 =	sadd.s32 $0x80, s4;
	v4 =	vld [tilespmem:s10+$0xC230];
	[tilespmem:s18+$0xC240] =	vst v10;
	v9 =	vmul.f32 $3.200000000e+01, v9  }
0x1e3: {  	v10 =	vld [tilespmem:s10+$0xC240];
	v7 =	vmul.f32 $3.200000000e+01, v7;
	[tilespmem:s18+$0xC250] =	vst v8  }
0x1e4: {  	v61 =	vld [tilespmem:s10+$0xC250];
	v5 =	vmul.f32 $3.200000000e+01, v5;
	[tilespmem:s18+$0xC260] =	vst v9  }
0x1e5: {  	v62 =	vld [tilespmem:s10+$0xC260];
	v6 =	vmul.f32 $3.200000000e+01, v6;
	[tilespmem:s10+$0xC270] =	vst v7  }
0x1e6: {  	[tilespmem:s10+$0xC200] =	vst v5;
	v3 =	vmul.f32 $3.200000000e+01, v3  }
0x1e7: {  	[tilespmem:s10+$0xC210] =	vst v6;
	v4 =	vmul.f32 $3.200000000e+01, v4  }
0x1e8: {  	[tilespmem:s10+$0xC220] =	vst v3;
	v3 =	vmul.f32 $3.200000000e+01, v10  }
0x1e9: {  	v63 =	vmul.f32 $3.200000000e+01, v61;
	[tilespmem:s10+$0xC230] =	vst v4  }
0x1ea: {  	[tilespmem:s10+$0xC240] =	vst v3;
	v3 =	vmul.f32 $3.200000000e+01, v62  }
0x1eb: {  	[tilespmem:s10+$0xC250] =	vst v63  }
0x1ec: {  	[tilespmem:s10+$0xC260] =	vst v3  }
0x1ed: {  	s4 =	rddreg [dreg:$0x8]  }
0x1ee: {  	[hbm4b:s4+s25] =	stream.linear.scatter [tilespmem:s22], [sflag:$0x8], $0x4000, $0x38;
	[tilespmem:$0x10200] =	vst v63  }
0x1ef: {  	_ =	swait.ge [sflag:s0], $0x4000  }
0x1f0: {  	[sflag:s0] =	ssyncset.done $0x0  }
0x1f1: {  	[sflag:s0] =	ssyncadd.s32 $0xFFFFC000  }
0x1f2: {  	_ =	swait.ge [sflag:s16], $0x4000  }
0x1f3: {  	[sflag:s16] =	ssyncset.done $0x0  }
0x1f4: {  	[sflag:s16] =	ssyncadd.s32 $0xFFFFC000  }
0x1f5: {  	_ =	swait.ge [sflag:s14], $0x4000  }
0x1f6: {  	[sflag:s14] =	ssyncset.done $0x0  }
0x1f7: {  	[sflag:s14] =	ssyncadd.s32 $0xFFFFC000  }
0x1f8: {  	_ =	swait.ge [sflag:s15], $0x4000  }
0x1f9: {  	s30 =	rddreg [dreg:$0xa]  }
0x1fa: {  	s31 =	rddreg [dreg:$0x9];
	s10 =	sadd.s32 $0x1, s30  }
0x1fb: {  	p0 =	sne.s32 s10, s31  }
.Ltmp9:
0x1fc: {  	_ = 	snop;
	(pc) =	sbr.rel @p0 .LBB2_1-.Ltmp9, $3  }
0x1fd: {  	_ =	sdelay $0x1  }
0x1fe: {  	[sflag:s15] =	ssyncset.done $0x0  }
0x1ff: {  	s12 =	simm.s32 $0x4200;
	[sflag:s15] =	ssyncadd.s32 $0xFFFFC000  }
0x200: {  	_ =	sfence.sel $0x180000  }
0x201: {  	[bflag:$0x0] =	sbarrier.arrive $0xFFFF  }
0x202: {  	_ =	strace $0x90000047  }
0x203: {  	s0 =	stileid.u32;
	[bflag:$0x2] =	sbarrier.arrive $0xFFFF  }
0x204: {  	p0 =	sne.s32 s0, $0x0;
	s0 =	rddreg [dreg:$0x3]  }
0x205: {  	s0 =	sadd.s32 @!p0 $0x100000, s0  }
0x206: {  	[sflag:s0] =	ssyncadd.tile.s32 @!p0 $0x1;
	_ =	shalt  }
.Lfunc_end2:
_tile_overlayer_lowered:
.L_overlay_start_2:
0x207: {  	(tag) =	ssettag $0x2  }
0x208: {  	s0 =	rddreg [dreg:$0x0];
	s2 =	stileid.u32  }
0x209: {  	s1 =	rddreg [dreg:$0x1];
	p0 =	sne.s32 s2, $0x0  }
0x20a: {  	s3 =	rddreg [dreg:$0x2];
	[bflag:$0x3] =	sbarrier.arrive $0xFFFF;
	s2 =	simm.s32 @!p0 $0x1C09  }
0x20b: {  	[timem:s3], [sflag:s2] =	dma.local @!p0 [hbm:s0], s1  }
0x20c: {  	s0 =	simm.s32 @!p0 $0x9  }
0x20d: {  	_ =	swait.ge @!p0 [sflag:s0], s1  }
0x20e: {  	s1 =	ssub.s32 @!p0 $0x0, s1;
	[sflag:s0] =	ssyncset.done @!p0 $0x0  }
0x20f: {  	[sflag:s0] =	ssyncadd.s32 @!p0 s1  }
0x210: {  	[bflag:$0x3] =	sbarrier.arrive $0xFFFF  }
0x211: {  	_ =	shalt  }

</sc_bundles>
